<compile_context>
chip_gen: v7x
topology: tpu7x:2x2x1
jax: 0.10.2.dev20260603
libtpu: 0.0.44.dev20260713+nightly
codegen_flags: <defaults>
</compile_context>

<pallas_src>
import functools

import jax
import jax.numpy as jnp
from jax import lax
from jax.experimental import pallas as pl
from jax.experimental.pallas import tpu as pltpu
from jax.experimental.pallas import tpu_sc as plsc

_B = 4
_N = 8192
_S = 1024
_K = 32
_CIN = 32
_M = _B * _S * _K
_EPS = 1e-5



_FR = _N // 128


def _fps_kernel(x_ref, y_ref, z_ref, cx_ref, cy_ref, cz_ref, dist_ref, io_ref):
    sh = (_B, _FR, 128)
    dist_ref[...] = jnp.full((_B * _FR, 128), 1e10, dtype=jnp.float32)
    io_ref[...] = (
        lax.broadcasted_iota(jnp.int32, sh, 1) * 128
        + lax.broadcasted_iota(jnp.int32, sh, 2)
    ).reshape(_B * _FR, 128)

    def body(i, carry):
        cx, cy, cz = carry
        cx_ref[pl.ds(i, 1), :] = cx.reshape(1, _B)
        cy_ref[pl.ds(i, 1), :] = cy.reshape(1, _B)
        cz_ref[pl.ds(i, 1), :] = cz.reshape(1, _B)
        X = x_ref[...].reshape(sh)
        Y = y_ref[...].reshape(sh)
        Z = z_ref[...].reshape(sh)
        dx = X - cx
        dy = Y - cy
        dz = Z - cz
        d = dx * dx + dy * dy + dz * dz
        dmin = jnp.minimum(dist_ref[...].reshape(sh), d)
        dist_ref[...] = dmin.reshape(_B * _FR, 128)
        io = io_ref[...].reshape(sh)
        m = jnp.max(dmin, axis=(1, 2), keepdims=True)
        idx = jnp.min(jnp.where(dmin == m, io, _N), axis=(1, 2), keepdims=True)
        sel = io == idx
        ncx = jnp.sum(jnp.where(sel, X, 0.0), axis=(1, 2), keepdims=True)
        ncy = jnp.sum(jnp.where(sel, Y, 0.0), axis=(1, 2), keepdims=True)
        ncz = jnp.sum(jnp.where(sel, Z, 0.0), axis=(1, 2), keepdims=True)
        return (ncx, ncy, ncz)

    X0 = x_ref[...].reshape(sh)
    Y0 = y_ref[...].reshape(sh)
    Z0 = z_ref[...].reshape(sh)
    c0 = (X0[:, 0:1, 0:1], Y0[:, 0:1, 0:1], Z0[:, 0:1, 0:1])
    lax.fori_loop(0, _S, body, c0)


def _fps_new_xyz(xyz):
    X = xyz[:, :, 0].reshape(_B * _FR, 128)
    Y = xyz[:, :, 1].reshape(_B * _FR, 128)
    Z = xyz[:, :, 2].reshape(_B * _FR, 128)
    out_shape = [jax.ShapeDtypeStruct((_S, _B), jnp.float32)] * 3
    cx, cy, cz = pl.pallas_call(
        _fps_kernel,
        out_shape=out_shape,
        scratch_shapes=[
            pltpu.VMEM((_B * _FR, 128), jnp.float32),
            pltpu.VMEM((_B * _FR, 128), jnp.int32),
        ],
    )(X, Y, Z)
    return jnp.stack([cx.T, cy.T, cz.T], axis=-1)




def _proj_kernel(xyz_ref, feats_ref, nxyz_ref, wxyz_ref, wfeat_ref, p_ref, q_ref):
    xyz = xyz_ref[0]
    feats = feats_ref[0]
    nxyz = nxyz_ref[0]
    wxyz = wxyz_ref[...]
    wfeat = wfeat_ref[...]
    p1 = lax.dot_general(xyz, wxyz, (((1,), (1,)), ((), ())),
                         preferred_element_type=jnp.float32)
    p2 = lax.dot_general(feats, wfeat, (((0,), (1,)), ((), ())),
                         preferred_element_type=jnp.float32)
    p_ref[0] = jnp.concatenate(
        [p1 + p2, jnp.zeros((_N, 96), jnp.float32)], axis=1)
    q_ref[0] = lax.dot_general(nxyz, wxyz, (((1,), (1,)), ((), ())),
                               preferred_element_type=jnp.float32)


def _project(xyz, features, new_xyz, W0):
    wxyz = W0[:, 0:3]
    wfeat = W0[:, 3:]
    p, q = pl.pallas_call(
        _proj_kernel,
        grid=(_B,),
        in_specs=[
            pl.BlockSpec((1, _N, 3), lambda b: (b, 0, 0)),
            pl.BlockSpec((1, _CIN, _N), lambda b: (b, 0, 0)),
            pl.BlockSpec((1, _S, 3), lambda b: (b, 0, 0)),
            pl.BlockSpec((32, 3), lambda b: (0, 0)),
            pl.BlockSpec((32, _CIN), lambda b: (0, 0)),
        ],
        out_specs=[
            pl.BlockSpec((1, _N, 128), lambda b: (b, 0, 0)),
            pl.BlockSpec((1, _S, 32), lambda b: (b, 0, 0)),
        ],
        out_shape=[
            jax.ShapeDtypeStruct((_B, _N, 128), jnp.float32),
            jax.ShapeDtypeStruct((_B, _S, 32), jnp.float32),
        ],
    )(xyz, features, new_xyz, wxyz, wfeat)
    return p, q



_KTILE = 128


def _knn_kernel(nxyz_ref, xyz_ref, idx_ref, d_ref, io_ref):
    c = nxyz_ref[0]
    x = xyz_ref[0]
    s2 = jnp.sum(c * c, axis=1, keepdims=True)
    d2 = jnp.sum(x * x, axis=1, keepdims=True)
    cross = lax.dot_general(c, x, (((1,), (1,)), ((), ())))
    d_ref[...] = jnp.maximum(s2 + d2[:, 0][None, :] - 2.0 * cross, 0.0)
    io_ref[...] = lax.broadcasted_iota(jnp.int32, (_KTILE, _N), 1)

    kiota = lax.broadcasted_iota(jnp.int32, (_KTILE, _K), 1)

    def body(j, acc):
        d = d_ref[...]
        iota = io_ref[...]
        m = jnp.min(d, axis=1, keepdims=True)
        idx = jnp.min(jnp.where(d == m, iota, _N), axis=1, keepdims=True)
        d_ref[...] = jnp.where(iota == idx, jnp.float32(3e38), d)
        return jnp.where(kiota == j, idx, acc)

    idx_ref[0] = lax.fori_loop(
        0, _K, body, jnp.zeros((_KTILE, _K), jnp.int32))


def _knn(new_xyz, xyz):
    return pl.pallas_call(
        _knn_kernel,
        grid=(_B, _S // _KTILE),
        in_specs=[
            pl.BlockSpec((1, _KTILE, 3), lambda b, s: (b, s, 0)),
            pl.BlockSpec((1, _N, 3), lambda b, s: (b, 0, 0)),
        ],
        out_specs=pl.BlockSpec((1, _KTILE, _K), lambda b, s: (b, s, 0)),
        out_shape=jax.ShapeDtypeStruct((_B, _S, _K), jnp.int32),
        scratch_shapes=[
            pltpu.VMEM((_KTILE, _N), jnp.float32),
            pltpu.VMEM((_KTILE, _N), jnp.int32),
        ],
    )(new_xyz, xyz)



_NW = 32
_ROWS_PER_W = _M // _NW
_CHUNK = 256
_NCHUNK = _ROWS_PER_W // _CHUNK


def _sc_gather(p_flat, flat_idx):
    mesh = plsc.VectorSubcoreMesh(core_axis_name="c", subcore_axis_name="s")

    @functools.partial(
        pl.kernel,
        mesh=mesh,
        out_type=jax.ShapeDtypeStruct((_M, 128), jnp.float32),
        scratch_types=[
            pltpu.VMEM((_ROWS_PER_W,), jnp.int32),
            pltpu.VMEM((_CHUNK, 128), jnp.float32),
            pltpu.VMEM((_CHUNK, 128), jnp.float32),
            pltpu.SemaphoreType.DMA,
            pltpu.SemaphoreType.DMA,
        ],
    )
    def k(table_hbm, idx_hbm, out_hbm, idx_all, rows0, rows1, sem0, sem1):
        wid = lax.axis_index("s") * 2 + lax.axis_index("c")
        base = wid * _ROWS_PER_W
        pltpu.sync_copy(idx_hbm.at[pl.ds(base, _ROWS_PER_W)], idx_all)
        rows = (rows0, rows1)
        sems = (sem0, sem1)

        pltpu.async_copy(table_hbm.at[idx_all.at[pl.ds(0, _CHUNK)]],
                         rows0, sem0)
        pltpu.async_copy(table_hbm.at[idx_all.at[pl.ds(_CHUNK, _CHUNK)]],
                         rows1, sem1)

        def body(g, carry):
            for b in range(2):
                j = 2 * g + b
                off = j * _CHUNK
                pltpu.make_async_copy(
                    table_hbm.at[idx_all.at[pl.ds(off, _CHUNK)]],
                    rows[b], sems[b]).wait()
                pltpu.sync_copy(rows[b], out_hbm.at[pl.ds(base + off, _CHUNK)])
                nj = jnp.minimum(j + 2, _NCHUNK - 1)
                pltpu.async_copy(
                    table_hbm.at[idx_all.at[pl.ds(nj * _CHUNK, _CHUNK)]],
                    rows[b], sems[b])
            return carry

        lax.fori_loop(0, _NCHUNK // 2, body, 0)
        tail = pl.ds((_NCHUNK - 1) * _CHUNK, _CHUNK)
        pltpu.make_async_copy(table_hbm.at[idx_all.at[tail]],
                              rows0, sem0).wait()
        pltpu.make_async_copy(table_hbm.at[idx_all.at[tail]],
                              rows1, sem1).wait()

    return k(p_flat, flat_idx)



_RCHUNK = 4096
_NSTEP = _M // _RCHUNK
_SCH = _RCHUNK // _K


def _passA_kernel(g_ref, q_ref, y_ref, st_ref, acc_ref):
    step = pl.program_id(0)

    @pl.when(step == 0)
    def _():
        acc_ref[...] = jnp.zeros_like(acc_ref)

    g = g_ref[:, 0:32]
    q = q_ref[0]
    qrep = jnp.broadcast_to(q[:, None, :], (_SCH, _K, 32)).reshape(_RCHUNK, 32)
    y = g - qrep
    y_ref[...] = y
    acc_ref[0:1, 0:32] += jnp.sum(y, axis=0, keepdims=True)
    acc_ref[1:2, 0:32] += jnp.sum(y * y, axis=0, keepdims=True)

    @pl.when(step == _NSTEP - 1)
    def _():
        st_ref[...] = acc_ref[...]


def _passA(g, q):
    return pl.pallas_call(
        _passA_kernel,
        grid=(_NSTEP,),
        in_specs=[
            pl.BlockSpec((_RCHUNK, 128), lambda i: (i, 0)),
            pl.BlockSpec((1, _SCH, 32), lambda i: (i, 0, 0)),
        ],
        out_specs=[
            pl.BlockSpec((_RCHUNK, 32), lambda i: (i, 0)),
            pl.BlockSpec((8, 128), lambda i: (0, 0)),
        ],
        out_shape=[
            jax.ShapeDtypeStruct((_M, 32), jnp.float32),
            jax.ShapeDtypeStruct((8, 128), jnp.float32),
        ],
        scratch_shapes=[pltpu.VMEM((8, 128), jnp.float32)],
    )(g, q.reshape(_NSTEP, _SCH, 32))


def _norm_relu(y, st_ref, gam_ref, bet_ref, cdim):
    s = st_ref[0:1, 0:cdim]
    ss = st_ref[1:2, 0:cdim]
    mean = s * (1.0 / _M)
    var = ss * (1.0 / _M) - mean * mean
    inv = lax.rsqrt(var + _EPS)
    gam = gam_ref[...]
    bet = bet_ref[...]
    return jnp.maximum((y - mean) * inv * gam + bet, 0.0)


def _passBC_kernel(y_ref, st_ref, gam_ref, bet_ref, w_ref, o_ref, so_ref,
                   acc_ref, *, cin, cout):
    step = pl.program_id(0)

    @pl.when(step == 0)
    def _():
        acc_ref[...] = jnp.zeros_like(acc_ref)

    x = _norm_relu(y_ref[...], st_ref, gam_ref, bet_ref, cin)
    ynew = lax.dot_general(x, w_ref[...], (((1,), (1,)), ((), ())),
                           preferred_element_type=jnp.float32)
    o_ref[...] = ynew
    acc_ref[0:1, 0:cout] += jnp.sum(ynew, axis=0, keepdims=True)
    acc_ref[1:2, 0:cout] += jnp.sum(ynew * ynew, axis=0, keepdims=True)

    @pl.when(step == _NSTEP - 1)
    def _():
        so_ref[...] = acc_ref[...]


def _passBC(y, st, gam, bet, w, cin, cout):
    return pl.pallas_call(
        functools.partial(_passBC_kernel, cin=cin, cout=cout),
        grid=(_NSTEP,),
        in_specs=[
            pl.BlockSpec((_RCHUNK, cin), lambda i: (i, 0)),
            pl.BlockSpec((8, 128), lambda i: (0, 0)),
            pl.BlockSpec((1, cin), lambda i: (0, 0)),
            pl.BlockSpec((1, cin), lambda i: (0, 0)),
            pl.BlockSpec((cout, cin), lambda i: (0, 0)),
        ],
        out_specs=[
            pl.BlockSpec((_RCHUNK, cout), lambda i: (i, 0)),
            pl.BlockSpec((8, 128), lambda i: (0, 0)),
        ],
        out_shape=[
            jax.ShapeDtypeStruct((_M, cout), jnp.float32),
            jax.ShapeDtypeStruct((8, 128), jnp.float32),
        ],
        scratch_shapes=[pltpu.VMEM((8, 128), jnp.float32)],
    )(y, st, gam.reshape(1, cin), bet.reshape(1, cin), w)


def _passD_kernel(y_ref, st_ref, gam_ref, bet_ref, o_ref):
    x = _norm_relu(y_ref[...], st_ref, gam_ref, bet_ref, 64)
    x3 = x.reshape(_SCH, _K, 64)
    o_ref[...] = jnp.max(x3, axis=1)


def _passD(y, st, gam, bet):
    return pl.pallas_call(
        _passD_kernel,
        grid=(_NSTEP,),
        in_specs=[
            pl.BlockSpec((_RCHUNK, 64), lambda i: (i, 0)),
            pl.BlockSpec((8, 128), lambda i: (0, 0)),
            pl.BlockSpec((1, 64), lambda i: (0, 0)),
            pl.BlockSpec((1, 64), lambda i: (0, 0)),
        ],
        out_specs=pl.BlockSpec((_SCH, 64), lambda i: (i, 0)),
        out_shape=jax.ShapeDtypeStruct((_B * _S, 64), jnp.float32),
    )(y, st, gam.reshape(1, 64), bet.reshape(1, 64))




def kernel(xyz, features, W0, g0, b0, W1, g1, b1, W2, g2, b2):
    new_xyz = _fps_new_xyz(xyz)

    group_idx = _knn(new_xyz, xyz)

    p, q = _project(xyz, features, new_xyz, W0)
    flat_idx = (group_idx
                + jnp.arange(_B, dtype=jnp.int32)[:, None, None] * _N
                ).reshape(_M)
    g = _sc_gather(p.reshape(_B * _N, 128), flat_idx)

    y1, st1 = _passA(g, q)
    y2, st2 = _passBC(y1, st1, g0, b0, W1, 32, 32)
    y3, st3 = _passBC(y2, st2, g1, b1, W2, 32, 64)
    nf = _passD(y3, st3, g2, b2)

    new_features = nf.reshape(_B, _S, 64).transpose(0, 2, 1)
    return (new_xyz, new_features)

# --- scband reference (transcript-rebuilt; emitter-appended) ---
"""Pipeline reference for scband-set-abstraction-89283780149946 (READ-ONLY COPY).

The authoritative reference and input builder live on the scoring server;
editing this copy changes nothing except your own understanding.
"""

import jax, jax.numpy as jnp
import numpy as np

NPOINT = 1024
K = 32
IN_CH = 32
MLP_CH = [32, 32, 64]


def farthest_point_sample(xyz, npoint):
    B, N, _ = xyz.shape
    batch_idx = jnp.arange(B)

    def body(i, state):
        centroids, distance, farthest = state
        centroids = centroids.at[:, i].set(farthest)
        centroid = xyz[batch_idx, farthest][:, None, :]
        dist = jnp.sum((xyz - centroid) ** 2, axis=-1)
        distance = jnp.minimum(distance, dist)
        farthest = jnp.argmax(distance, axis=-1).astype(jnp.int32)
        return (centroids, distance, farthest)

    centroids0 = jnp.zeros((B, npoint), dtype=jnp.int32)
    distance0 = jnp.full((B, N), 1e10, dtype=xyz.dtype)
    farthest0 = jnp.zeros((B,), dtype=jnp.int32)
    centroids, _, _ = jax.lax.fori_loop(0, npoint, body, (centroids0, distance0, farthest0))
    return centroids


def index_points(points, idx):
    return jax.vmap(lambda p, i: p[i])(points, idx)


def square_distance(src, dst):
    s2 = jnp.sum(src ** 2, axis=-1)[:, :, None]
    d2 = jnp.sum(dst ** 2, axis=-1)[:, None, :]
    cross = jnp.einsum('bnd,bmd->bnm', src, dst)
    return jnp.maximum(s2 + d2 - 2.0 * cross, 0.0)


def mlp_layer(x, W, g, b):
    # 1x1 conv (no bias) + BatchNorm2d (training-mode batch stats) + ReLU
    y = jnp.einsum('bcsk,oc->bosk', x, W)
    mean = jnp.mean(y, axis=(0, 2, 3), keepdims=True)
    var = jnp.var(y, axis=(0, 2, 3), keepdims=True)
    y = (y - mean) / jnp.sqrt(var + 1e-5)
    y = y * g[None, :, None, None] + b[None, :, None, None]
    return jax.nn.relu(y)


def setup_inputs(seed: int = 0) -> dict:
    key = jax.random.key(seed)
    ks = jax.random.split(key, 8)
    B, N = 4, 8192
    xyz = jax.random.normal(ks[0], (B, N, 3), dtype=jnp.float32)
    features = jax.random.normal(ks[1], (B, IN_CH, N), dtype=jnp.float32)
    chans = [IN_CH + 3] + MLP_CH
    inp = {"xyz": xyz, "features": features}
    for li in range(len(MLP_CH)):
        fan_in = chans[li]
        W = jax.random.normal(ks[2 + li], (chans[li + 1], fan_in), dtype=jnp.float32) * np.sqrt(2.0 / fan_in)
        inp[f"W{li}"] = W
        inp[f"g{li}"] = jnp.ones((chans[li + 1],), dtype=jnp.float32)
        inp[f"b{li}"] = jnp.zeros((chans[li + 1],), dtype=jnp.float32)
    return inp


def reference(xyz, features, W0, g0, b0, W1, g1, b1, W2, g2, b2):
    fps_idx = farthest_point_sample(xyz, NPOINT)
    new_xyz = index_points(xyz, fps_idx)                      # [B, S, 3]
    dist = square_distance(new_xyz, xyz)                      # [B, S, N]
    _, group_idx = jax.lax.top_k(-dist, K)                    # [B, S, K] smallest dists
    grouped_xyz = index_points(xyz, group_idx)                # [B, S, K, 3]
    grouped_xyz_norm = grouped_xyz - new_xyz[:, :, None, :]
    feats_t = jnp.transpose(features, (0, 2, 1))              # [B, N, C]
    grouped_features = index_points(feats_t, group_idx)       # [B, S, K, C]
    grouped_features = jnp.transpose(grouped_features, (0, 3, 1, 2))
    grouped_input = jnp.concatenate(
        [jnp.transpose(grouped_xyz_norm, (0, 3, 1, 2)), grouped_features], axis=1
    )                                                          # [B, C+3, S, K]
    y = mlp_layer(grouped_input, W0, g0, b0)
    y = mlp_layer(y, W1, g1, b1)
    y = mlp_layer(y, W2, g2, b2)
    new_features = jnp.max(y, axis=-1)                        # [B, C_out, S]
    return (new_xyz, new_features)

if __name__ == "__main__":
    import jax
    _d = setup_inputs()
    print(jax.jit(kernel)(*tuple(_d.values())))

</pallas_src>

<mosaic_0001>
#map = affine_map<(d0, d1) -> (0, 0)>
#map1 = affine_map<(d0, d1) -> (0)>
module attributes {stable_mosaic.version = 14 : i64} {
  func.func @k(%arg0: i32, %arg1: i32, %arg2: memref<32768x128xf32, #tpu.memory_space<hbm>>, %arg3: memref<131072xi32, #tpu.memory_space<hbm>>, %arg4: memref<131072x128xf32, #tpu.memory_space<hbm>>, %arg5: memref<4096xi32, #tpu.memory_space<vmem>>, %arg6: memref<256x128xf32, #tpu.memory_space<vmem>>, %arg7: memref<256x128xf32, #tpu.memory_space<vmem>>, %arg8: memref<!tpu.dma_semaphore, #tpu.memory_space<semaphore_mem>>, %arg9: memref<!tpu.dma_semaphore, #tpu.memory_space<semaphore_mem>>) attributes {dimension_semantics = [#tpu.dimension_semantics<core_parallel>, #tpu.dimension_semantics<subcore_parallel>], iteration_bounds = array<i64: 2, 16>, scalar_prefetch = 0 : i64, scratch_operands = 5 : i64, tpu.core_type = #tpu.core_type<sc_vector_subcore>, window_params = [{transform_indices = #map}, {transform_indices = #map1}, {transform_indices = #map}]} {
    %mul3A = arith.constant 2 : i32
    %mul3A_0 = arith.muli %arg1, %mul3A : i32
    %add3A = arith.addi %mul3A_0, %arg0 : i32
    %mul3A_1 = arith.constant 4096 : i32
    %mul3A_2 = arith.muli %add3A, %mul3A_1 : i32
    "tpu.region"() ({
      %run_scoped3A = tpu.sem_alloc : memref<!tpu.dma_semaphore, #tpu.memory_space<semaphore_mem>>
      %dma_start3A_26 = tpu.memref_slice %arg3[%mul3A_2] : memref<131072xi32, #tpu.memory_space<hbm>> -> memref<4096xi32, #tpu.memory_space<hbm>>
      %dma_start3A_27 = tpu.memref_slice %arg3[%mul3A_2] : memref<131072xi32, #tpu.memory_space<hbm>> -> memref<4096xi32, #tpu.memory_space<hbm>>
      tpu.enqueue_dma source(%dma_start3A_27 : memref<4096xi32, #tpu.memory_space<hbm>>) target(%arg5 : memref<4096xi32, #tpu.memory_space<vmem>>) target_semaphore(%run_scoped3A : memref<!tpu.dma_semaphore, #tpu.memory_space<semaphore_mem>>)
      %dma_wait3A_28 = tpu.memref_slice %arg3[%mul3A_2] : memref<131072xi32, #tpu.memory_space<hbm>> -> memref<4096xi32, #tpu.memory_space<hbm>>
      %dma_wait3A_29 = tpu.memref_slice %arg3[%mul3A_2] : memref<131072xi32, #tpu.memory_space<hbm>> -> memref<4096xi32, #tpu.memory_space<hbm>>
      tpu.wait_dma2 semaphore(%run_scoped3A : memref<!tpu.dma_semaphore, #tpu.memory_space<semaphore_mem>>) src(%dma_wait3A_29 : memref<4096xi32, #tpu.memory_space<hbm>>) dst(%arg5 : memref<4096xi32, #tpu.memory_space<vmem>>)
      tpu.yield
    }) : () -> ()
    %dma_start3A = arith.constant 0 : i32
    %dma_start3A_3 = tpu.memref_slice %arg5[%dma_start3A] : memref<4096xi32, #tpu.memory_space<vmem>> -> memref<256xi32, #tpu.memory_space<vmem>>
    %dma_start3A_4 = arith.constant 0 : i32
    %dma_start3A_5 = arith.constant 0 : i32
    %dma_start3A_6 = tpu.memref_slice %arg2[%dma_start3A_4, %dma_start3A_5] : memref<32768x128xf32, #tpu.memory_space<hbm>> -> memref<32768x128xf32, #tpu.memory_space<hbm>>
    tpu.enqueue_indirect_dma source(%dma_start3A_6 : memref<32768x128xf32, #tpu.memory_space<hbm>>) target(%arg6 : memref<256x128xf32, #tpu.memory_space<vmem>>) offsets(%dma_start3A_3 : memref<256xi32, #tpu.memory_space<vmem>>) semaphore(%arg8 : memref<!tpu.dma_semaphore, #tpu.memory_space<semaphore_mem>>)
    %dma_start3A_7 = arith.constant 256 : i32
    %dma_start3A_8 = tpu.memref_slice %arg5[%dma_start3A_7] : memref<4096xi32, #tpu.memory_space<vmem>> -> memref<256xi32, #tpu.memory_space<vmem>>
    %dma_start3A_9 = arith.constant 0 : i32
    %dma_start3A_10 = arith.constant 0 : i32
    %dma_start3A_11 = tpu.memref_slice %arg2[%dma_start3A_9, %dma_start3A_10] : memref<32768x128xf32, #tpu.memory_space<hbm>> -> memref<32768x128xf32, #tpu.memory_space<hbm>>
    tpu.enqueue_indirect_dma source(%dma_start3A_11 : memref<32768x128xf32, #tpu.memory_space<hbm>>) target(%arg7 : memref<256x128xf32, #tpu.memory_space<vmem>>) offsets(%dma_start3A_8 : memref<256xi32, #tpu.memory_space<vmem>>) semaphore(%arg9 : memref<!tpu.dma_semaphore, #tpu.memory_space<semaphore_mem>>)
    %scan3A = arith.constant 0 : i32
    %scan3A_12 = arith.constant 0 : i32
    %scan3A_13 = arith.constant 8 : i32
    %scan3A_14 = arith.addi %scan3A_12, %scan3A_13 : i32
    %scan3A_15 = arith.constant 1 : i32
    scf.for %scan3A_26 = %scan3A_12 to %scan3A_14 step %scan3A_15  : i32 {
      %mul3A_27 = arith.constant 2 : i32
      %mul3A_28 = arith.muli %mul3A_27, %scan3A_26 : i32
      %add3A_29 = arith.constant 0 : i32
      %add3A_30 = arith.addi %mul3A_28, %add3A_29 : i32
      %mul3A_31 = arith.constant 256 : i32
      %mul3A_32 = arith.muli %add3A_30, %mul3A_31 : i32
      %dma_wait3A_33 = tpu.memref_slice %arg5[%mul3A_32] : memref<4096xi32, #tpu.memory_space<vmem>> -> memref<256xi32, #tpu.memory_space<vmem>>
      %dma_wait3A_34 = arith.constant 0 : i32
      %dma_wait3A_35 = arith.constant 0 : i32
      %dma_wait3A_36 = tpu.memref_slice %arg2[%dma_wait3A_34, %dma_wait3A_35] : memref<32768x128xf32, #tpu.memory_space<hbm>> -> memref<32768x128xf32, #tpu.memory_space<hbm>>
      tpu.wait_indirect_dma semaphore(%arg8 : memref<!tpu.dma_semaphore, #tpu.memory_space<semaphore_mem>>) src(%dma_wait3A_36 : memref<32768x128xf32, #tpu.memory_space<hbm>>) dst(%arg6 : memref<256x128xf32, #tpu.memory_space<vmem>>)
      %add3A_37 = arith.addi %mul3A_2, %mul3A_32 : i32
      "tpu.region"() ({
        %run_scoped3A = tpu.sem_alloc : memref<!tpu.dma_semaphore, #tpu.memory_space<semaphore_mem>>
        %dma_start3A_68 = arith.constant 0 : i32
        %dma_start3A_69 = tpu.memref_slice %arg4[%add3A_37, %dma_start3A_68] : memref<131072x128xf32, #tpu.memory_space<hbm>> -> memref<256x128xf32, #tpu.memory_space<hbm>>
        %dma_start3A_70 = arith.constant 0 : i32
        %dma_start3A_71 = tpu.memref_slice %arg4[%add3A_37, %dma_start3A_70] : memref<131072x128xf32, #tpu.memory_space<hbm>> -> memref<256x128xf32, #tpu.memory_space<hbm>>
        tpu.enqueue_dma source(%arg6 : memref<256x128xf32, #tpu.memory_space<vmem>>) target(%dma_start3A_71 : memref<256x128xf32, #tpu.memory_space<hbm>>) target_semaphore(%run_scoped3A : memref<!tpu.dma_semaphore, #tpu.memory_space<semaphore_mem>>)
        %dma_wait3A_72 = arith.constant 0 : i32
        %dma_wait3A_73 = tpu.memref_slice %arg4[%add3A_37, %dma_wait3A_72] : memref<131072x128xf32, #tpu.memory_space<hbm>> -> memref<256x128xf32, #tpu.memory_space<hbm>>
        %dma_wait3A_74 = arith.constant 0 : i32
        %dma_wait3A_75 = tpu.memref_slice %arg4[%add3A_37, %dma_wait3A_74] : memref<131072x128xf32, #tpu.memory_space<hbm>> -> memref<256x128xf32, #tpu.memory_space<hbm>>
        tpu.wait_dma2 semaphore(%run_scoped3A : memref<!tpu.dma_semaphore, #tpu.memory_space<semaphore_mem>>) src(%arg6 : memref<256x128xf32, #tpu.memory_space<vmem>>) dst(%dma_wait3A_75 : memref<256x128xf32, #tpu.memory_space<hbm>>)
        tpu.yield
      }) : () -> ()
      %add3A_38 = arith.constant 2 : i32
      %add3A_39 = arith.addi %add3A_30, %add3A_38 : i32
      %min3A = arith.constant 15 : i32
      %min3A_40 = arith.minsi %add3A_39, %min3A : i32
      %mul3A_41 = arith.constant 256 : i32
      %mul3A_42 = arith.muli %min3A_40, %mul3A_41 : i32
      %dma_start3A_43 = tpu.memref_slice %arg5[%mul3A_42] : memref<4096xi32, #tpu.memory_space<vmem>> -> memref<256xi32, #tpu.memory_space<vmem>>
      %dma_start3A_44 = arith.constant 0 : i32
      %dma_start3A_45 = arith.constant 0 : i32
      %dma_start3A_46 = tpu.memref_slice %arg2[%dma_start3A_44, %dma_start3A_45] : memref<32768x128xf32, #tpu.memory_space<hbm>> -> memref<32768x128xf32, #tpu.memory_space<hbm>>
      tpu.enqueue_indirect_dma source(%dma_start3A_46 : memref<32768x128xf32, #tpu.memory_space<hbm>>) target(%arg6 : memref<256x128xf32, #tpu.memory_space<vmem>>) offsets(%dma_start3A_43 : memref<256xi32, #tpu.memory_space<vmem>>) semaphore(%arg8 : memref<!tpu.dma_semaphore, #tpu.memory_space<semaphore_mem>>)
      %mul3A_47 = arith.constant 2 : i32
      %mul3A_48 = arith.muli %mul3A_47, %scan3A_26 : i32
      %add3A_49 = arith.constant 1 : i32
      %add3A_50 = arith.addi %mul3A_48, %add3A_49 : i32
      %mul3A_51 = arith.constant 256 : i32
      %mul3A_52 = arith.muli %add3A_50, %mul3A_51 : i32
      %dma_wait3A_53 = tpu.memref_slice %arg5[%mul3A_52] : memref<4096xi32, #tpu.memory_space<vmem>> -> memref<256xi32, #tpu.memory_space<vmem>>
      %dma_wait3A_54 = arith.constant 0 : i32
      %dma_wait3A_55 = arith.constant 0 : i32
      %dma_wait3A_56 = tpu.memref_slice %arg2[%dma_wait3A_54, %dma_wait3A_55] : memref<32768x128xf32, #tpu.memory_space<hbm>> -> memref<32768x128xf32, #tpu.memory_space<hbm>>
      tpu.wait_indirect_dma semaphore(%arg9 : memref<!tpu.dma_semaphore, #tpu.memory_space<semaphore_mem>>) src(%dma_wait3A_56 : memref<32768x128xf32, #tpu.memory_space<hbm>>) dst(%arg7 : memref<256x128xf32, #tpu.memory_space<vmem>>)
      %add3A_57 = arith.addi %mul3A_2, %mul3A_52 : i32
      "tpu.region"() ({
        %run_scoped3A = tpu.sem_alloc : memref<!tpu.dma_semaphore, #tpu.memory_space<semaphore_mem>>
        %dma_start3A_68 = arith.constant 0 : i32
        %dma_start3A_69 = tpu.memref_slice %arg4[%add3A_57, %dma_start3A_68] : memref<131072x128xf32, #tpu.memory_space<hbm>> -> memref<256x128xf32, #tpu.memory_space<hbm>>
        %dma_start3A_70 = arith.constant 0 : i32
        %dma_start3A_71 = tpu.memref_slice %arg4[%add3A_57, %dma_start3A_70] : memref<131072x128xf32, #tpu.memory_space<hbm>> -> memref<256x128xf32, #tpu.memory_space<hbm>>
        tpu.enqueue_dma source(%arg7 : memref<256x128xf32, #tpu.memory_space<vmem>>) target(%dma_start3A_71 : memref<256x128xf32, #tpu.memory_space<hbm>>) target_semaphore(%run_scoped3A : memref<!tpu.dma_semaphore, #tpu.memory_space<semaphore_mem>>)
        %dma_wait3A_72 = arith.constant 0 : i32
        %dma_wait3A_73 = tpu.memref_slice %arg4[%add3A_57, %dma_wait3A_72] : memref<131072x128xf32, #tpu.memory_space<hbm>> -> memref<256x128xf32, #tpu.memory_space<hbm>>
        %dma_wait3A_74 = arith.constant 0 : i32
        %dma_wait3A_75 = tpu.memref_slice %arg4[%add3A_57, %dma_wait3A_74] : memref<131072x128xf32, #tpu.memory_space<hbm>> -> memref<256x128xf32, #tpu.memory_space<hbm>>
        tpu.wait_dma2 semaphore(%run_scoped3A : memref<!tpu.dma_semaphore, #tpu.memory_space<semaphore_mem>>) src(%arg7 : memref<256x128xf32, #tpu.memory_space<vmem>>) dst(%dma_wait3A_75 : memref<256x128xf32, #tpu.memory_space<hbm>>)
        tpu.yield
      }) : () -> ()
      %add3A_58 = arith.constant 2 : i32
      %add3A_59 = arith.addi %add3A_50, %add3A_58 : i32
      %min3A_60 = arith.constant 15 : i32
      %min3A_61 = arith.minsi %add3A_59, %min3A_60 : i32
      %mul3A_62 = arith.constant 256 : i32
      %mul3A_63 = arith.muli %min3A_61, %mul3A_62 : i32
      %dma_start3A_64 = tpu.memref_slice %arg5[%mul3A_63] : memref<4096xi32, #tpu.memory_space<vmem>> -> memref<256xi32, #tpu.memory_space<vmem>>
      %dma_start3A_65 = arith.constant 0 : i32
      %dma_start3A_66 = arith.constant 0 : i32
      %dma_start3A_67 = tpu.memref_slice %arg2[%dma_start3A_65, %dma_start3A_66] : memref<32768x128xf32, #tpu.memory_space<hbm>> -> memref<32768x128xf32, #tpu.memory_space<hbm>>
      tpu.enqueue_indirect_dma source(%dma_start3A_67 : memref<32768x128xf32, #tpu.memory_space<hbm>>) target(%arg7 : memref<256x128xf32, #tpu.memory_space<vmem>>) offsets(%dma_start3A_64 : memref<256xi32, #tpu.memory_space<vmem>>) semaphore(%arg9 : memref<!tpu.dma_semaphore, #tpu.memory_space<semaphore_mem>>)
    }
    %scan3A_16 = arith.constant 8 : i32
    %dma_wait3A = arith.constant 3840 : i32
    %dma_wait3A_17 = tpu.memref_slice %arg5[%dma_wait3A] : memref<4096xi32, #tpu.memory_space<vmem>> -> memref<256xi32, #tpu.memory_space<vmem>>
    %dma_wait3A_18 = arith.constant 0 : i32
    %dma_wait3A_19 = arith.constant 0 : i32
    %dma_wait3A_20 = tpu.memref_slice %arg2[%dma_wait3A_18, %dma_wait3A_19] : memref<32768x128xf32, #tpu.memory_space<hbm>> -> memref<32768x128xf32, #tpu.memory_space<hbm>>
    tpu.wait_indirect_dma semaphore(%arg8 : memref<!tpu.dma_semaphore, #tpu.memory_space<semaphore_mem>>) src(%dma_wait3A_20 : memref<32768x128xf32, #tpu.memory_space<hbm>>) dst(%arg6 : memref<256x128xf32, #tpu.memory_space<vmem>>)
    %dma_wait3A_21 = arith.constant 3840 : i32
    %dma_wait3A_22 = tpu.memref_slice %arg5[%dma_wait3A_21] : memref<4096xi32, #tpu.memory_space<vmem>> -> memref<256xi32, #tpu.memory_space<vmem>>
    %dma_wait3A_23 = arith.constant 0 : i32
    %dma_wait3A_24 = arith.constant 0 : i32
    %dma_wait3A_25 = tpu.memref_slice %arg2[%dma_wait3A_23, %dma_wait3A_24] : memref<32768x128xf32, #tpu.memory_space<hbm>> -> memref<32768x128xf32, #tpu.memory_space<hbm>>
    tpu.wait_indirect_dma semaphore(%arg9 : memref<!tpu.dma_semaphore, #tpu.memory_space<semaphore_mem>>) src(%dma_wait3A_25 : memref<32768x128xf32, #tpu.memory_space<hbm>>) dst(%arg7 : memref<256x128xf32, #tpu.memory_space<vmem>>)
    return
  }
}

module attributes {stable_mosaic.version = 14 : i64} {
  func.func @_fps_kernel(%arg0: memref<256x128xf32, #tpu.memory_space<vmem>>, %arg1: memref<256x128xf32, #tpu.memory_space<vmem>>, %arg2: memref<256x128xf32, #tpu.memory_space<vmem>>, %arg3: memref<1024x4xf32, #tpu.memory_space<vmem>>, %arg4: memref<1024x4xf32, #tpu.memory_space<vmem>>, %arg5: memref<1024x4xf32, #tpu.memory_space<vmem>>, %arg6: memref<256x128xf32, #tpu.memory_space<vmem>>, %arg7: memref<256x128xi32, #tpu.memory_space<vmem>>) attributes {dimension_semantics = [], scalar_prefetch = 0 : i64, scratch_operands = 2 : i64, tpu.core_type = #tpu.core_type<tc>} {
    %broadcast_in_dim3A = arith.constant 1.000000e+10 : f32
    %broadcast_in_dim3A_0 = vector.broadcast %broadcast_in_dim3A : f32 to vector<256x128xf32>
    %swap3A = arith.constant 0 : index
    %swap3A_1 = arith.constant 0 : index
    %swap3A_2 = vector.load %arg6[%swap3A, %swap3A_1] : memref<256x128xf32, #tpu.memory_space<vmem>>, vector<256x128xf32>
    tpu.vector_store %arg6[%swap3A, %swap3A_1], %broadcast_in_dim3A_0 {strides = array<i32>} : memref<256x128xf32, #tpu.memory_space<vmem>>, vector<256x128xf32>,
    %iota3A = tpu.iota {dimensions = array<i32: 1>} : vector<4x64x128xi32>
    %mul3A = arith.constant 128 : i32
    %mul3A_3 = vector.broadcast %mul3A : i32 to vector<4x64x128xi32>
    %mul3A_4 = arith.muli %iota3A, %mul3A_3 : vector<4x64x128xi32>
    %iota3A_5 = tpu.iota {dimensions = array<i32: 2>} : vector<4x64x128xi32>
    %add3A = arith.addi %mul3A_4, %iota3A_5 : vector<4x64x128xi32>
    %reshape3A = vector.shape_cast %add3A : vector<4x64x128xi32> to vector<256x128xi32>
    %swap3A_6 = arith.constant 0 : index
    %swap3A_7 = arith.constant 0 : index
    %swap3A_8 = vector.load %arg7[%swap3A_6, %swap3A_7] : memref<256x128xi32, #tpu.memory_space<vmem>>, vector<256x128xi32>
    tpu.vector_store %arg7[%swap3A_6, %swap3A_7], %reshape3A {strides = array<i32>} : memref<256x128xi32, #tpu.memory_space<vmem>>, vector<256x128xi32>,
    %get3A = arith.constant 0 : index
    %get3A_9 = arith.constant 0 : index
    %get3A_10 = vector.load %arg0[%get3A, %get3A_9] : memref<256x128xf32, #tpu.memory_space<vmem>>, vector<256x128xf32>
    %reshape3A_11 = vector.shape_cast %get3A_10 : vector<256x128xf32> to vector<4x64x128xf32>
    %get3A_12 = arith.constant 0 : index
    %get3A_13 = arith.constant 0 : index
    %get3A_14 = vector.load %arg1[%get3A_12, %get3A_13] : memref<256x128xf32, #tpu.memory_space<vmem>>, vector<256x128xf32>
    %reshape3A_15 = vector.shape_cast %get3A_14 : vector<256x128xf32> to vector<4x64x128xf32>
    %get3A_16 = arith.constant 0 : index
    %get3A_17 = arith.constant 0 : index
    %get3A_18 = vector.load %arg2[%get3A_16, %get3A_17] : memref<256x128xf32, #tpu.memory_space<vmem>>, vector<256x128xf32>
    %reshape3A_19 = vector.shape_cast %get3A_18 : vector<256x128xf32> to vector<4x64x128xf32>
    %slice3A = vector.extract_strided_slice %reshape3A_11 {offsets = [0, 0, 0], sizes = [4, 1, 1], strides = [1, 1, 1]} : vector<4x64x128xf32> to vector<4x1x1xf32>
    %slice3A_20 = vector.extract_strided_slice %reshape3A_15 {offsets = [0, 0, 0], sizes = [4, 1, 1], strides = [1, 1, 1]} : vector<4x64x128xf32> to vector<4x1x1xf32>
    %slice3A_21 = vector.extract_strided_slice %reshape3A_19 {offsets = [0, 0, 0], sizes = [4, 1, 1], strides = [1, 1, 1]} : vector<4x64x128xf32> to vector<4x1x1xf32>
    %scan3A = arith.constant 0 : i32
    %scan3A_22 = arith.constant 1024 : i32
    %scan3A_23 = arith.addi %scan3A, %scan3A_22 : i32
    %scan3A_24 = arith.constant 1 : i32
    %scan3A_25:3 = scf.for %scan3A_27 = %scan3A to %scan3A_23 step %scan3A_24 iter_args(%scan3A_28 = %slice3A, %scan3A_29 = %slice3A_20, %scan3A_30 = %slice3A_21) -> (vector<4x1x1xf32>, vector<4x1x1xf32>, vector<4x1x1xf32>)  : i32 {
      %reshape3A_31 = vector.shape_cast %scan3A_28 : vector<4x1x1xf32> to vector<1x4xf32>
      %swap3A_32 = arith.index_cast %scan3A_27 : i32 to index
      %swap3A_33 = arith.constant 0 : index
      %swap3A_34 = vector.load %arg3[%swap3A_32, %swap3A_33] : memref<1024x4xf32, #tpu.memory_space<vmem>>, vector<1x4xf32>
      tpu.vector_store %arg3[%swap3A_32, %swap3A_33], %reshape3A_31 {strides = array<i32>} : memref<1024x4xf32, #tpu.memory_space<vmem>>, vector<1x4xf32>,
      %reshape3A_35 = vector.shape_cast %scan3A_29 : vector<4x1x1xf32> to vector<1x4xf32>
      %swap3A_36 = arith.index_cast %scan3A_27 : i32 to index
      %swap3A_37 = arith.constant 0 : index
      %swap3A_38 = vector.load %arg4[%swap3A_36, %swap3A_37] : memref<1024x4xf32, #tpu.memory_space<vmem>>, vector<1x4xf32>
      tpu.vector_store %arg4[%swap3A_36, %swap3A_37], %reshape3A_35 {strides = array<i32>} : memref<1024x4xf32, #tpu.memory_space<vmem>>, vector<1x4xf32>,
      %reshape3A_39 = vector.shape_cast %scan3A_30 : vector<4x1x1xf32> to vector<1x4xf32>
      %swap3A_40 = arith.index_cast %scan3A_27 : i32 to index
      %swap3A_41 = arith.constant 0 : index
      %swap3A_42 = vector.load %arg5[%swap3A_40, %swap3A_41] : memref<1024x4xf32, #tpu.memory_space<vmem>>, vector<1x4xf32>
      tpu.vector_store %arg5[%swap3A_40, %swap3A_41], %reshape3A_39 {strides = array<i32>} : memref<1024x4xf32, #tpu.memory_space<vmem>>, vector<1x4xf32>,
      %get3A_43 = arith.constant 0 : index
      %get3A_44 = arith.constant 0 : index
      %get3A_45 = vector.load %arg0[%get3A_43, %get3A_44] : memref<256x128xf32, #tpu.memory_space<vmem>>, vector<256x128xf32>
      %reshape3A_46 = vector.shape_cast %get3A_45 : vector<256x128xf32> to vector<4x64x128xf32>
      %get3A_47 = arith.constant 0 : index
      %get3A_48 = arith.constant 0 : index
      %get3A_49 = vector.load %arg1[%get3A_47, %get3A_48] : memref<256x128xf32, #tpu.memory_space<vmem>>, vector<256x128xf32>
      %reshape3A_50 = vector.shape_cast %get3A_49 : vector<256x128xf32> to vector<4x64x128xf32>
      %get3A_51 = arith.constant 0 : index
      %get3A_52 = arith.constant 0 : index
      %get3A_53 = vector.load %arg2[%get3A_51, %get3A_52] : memref<256x128xf32, #tpu.memory_space<vmem>>, vector<256x128xf32>
      %reshape3A_54 = vector.shape_cast %get3A_53 : vector<256x128xf32> to vector<4x64x128xf32>
      %sub3A = vector.broadcast %scan3A_28 : vector<4x1x1xf32> to vector<4x64x128xf32>
      %sub3A_55 = arith.subf %reshape3A_46, %sub3A : vector<4x64x128xf32>
      %sub3A_56 = vector.broadcast %scan3A_29 : vector<4x1x1xf32> to vector<4x64x128xf32>
      %sub3A_57 = arith.subf %reshape3A_50, %sub3A_56 : vector<4x64x128xf32>
      %sub3A_58 = vector.broadcast %scan3A_30 : vector<4x1x1xf32> to vector<4x64x128xf32>
      %sub3A_59 = arith.subf %reshape3A_54, %sub3A_58 : vector<4x64x128xf32>
      %mul3A_60 = arith.mulf %sub3A_55, %sub3A_55 : vector<4x64x128xf32>
      %mul3A_61 = arith.mulf %sub3A_57, %sub3A_57 : vector<4x64x128xf32>
      %add3A_62 = arith.addf %mul3A_60, %mul3A_61 : vector<4x64x128xf32>
      %mul3A_63 = arith.mulf %sub3A_59, %sub3A_59 : vector<4x64x128xf32>
      %add3A_64 = arith.addf %add3A_62, %mul3A_63 : vector<4x64x128xf32>
      %get3A_65 = arith.constant 0 : index
      %get3A_66 = arith.constant 0 : index
      %get3A_67 = vector.load %arg6[%get3A_65, %get3A_66] : memref<256x128xf32, #tpu.memory_space<vmem>>, vector<256x128xf32>
      %reshape3A_68 = vector.shape_cast %get3A_67 : vector<256x128xf32> to vector<4x64x128xf32>
      %min3A = arith.minimumf %reshape3A_68, %add3A_64 : vector<4x64x128xf32>
      %reshape3A_69 = vector.shape_cast %min3A : vector<4x64x128xf32> to vector<256x128xf32>
      %swap3A_70 = arith.constant 0 : index
      %swap3A_71 = arith.constant 0 : index
      %swap3A_72 = vector.load %arg6[%swap3A_70, %swap3A_71] : memref<256x128xf32, #tpu.memory_space<vmem>>, vector<256x128xf32>
      tpu.vector_store %arg6[%swap3A_70, %swap3A_71], %reshape3A_69 {strides = array<i32>} : memref<256x128xf32, #tpu.memory_space<vmem>>, vector<256x128xf32>,
      %get3A_73 = arith.constant 0 : index
      %get3A_74 = arith.constant 0 : index
      %get3A_75 = vector.load %arg7[%get3A_73, %get3A_74] : memref<256x128xi32, #tpu.memory_space<vmem>>, vector<256x128xi32>
      %reshape3A_76 = vector.shape_cast %get3A_75 : vector<256x128xi32> to vector<4x64x128xi32>
      %reduce_max3A = arith.constant dense<0xFF800000> : vector<4xf32>
      %reduce_max3A_77 = vector.multi_reduction <maximumf>, %min3A, %reduce_max3A [1, 2] : vector<4x64x128xf32> to vector<4xf32>
      %broadcast_in_dim3A_78 = vector.shape_cast %reduce_max3A_77 : vector<4xf32> to vector<4x1x1xf32>
      %eq3A = vector.broadcast %broadcast_in_dim3A_78 : vector<4x1x1xf32> to vector<4x64x128xf32>
      %eq3A_79 = arith.cmpf oeq, %min3A, %eq3A : vector<4x64x128xf32>
      %jit3A = arith.constant 8192 : i32
      %broadcast_in_dim3A_80 = vector.broadcast %jit3A : i32 to vector<4x64x128xi32>
      %select_n3A = arith.select %eq3A_79, %reshape3A_76, %broadcast_in_dim3A_80 : vector<4x64x128xi1>, vector<4x64x128xi32>
      %reduce_min3A = arith.constant dense<2147483647> : vector<4xi32>
      %reduce_min3A_81 = vector.multi_reduction <minsi>, %select_n3A, %reduce_min3A [1, 2] : vector<4x64x128xi32> to vector<4xi32>
      %broadcast_in_dim3A_82 = vector.shape_cast %reduce_min3A_81 : vector<4xi32> to vector<4x1x1xi32>
      %eq3A_83 = vector.broadcast %broadcast_in_dim3A_82 : vector<4x1x1xi32> to vector<4x64x128xi32>
      %eq3A_84 = arith.cmpi eq, %reshape3A_76, %eq3A_83 : vector<4x64x128xi32>
      %jit3A_85 = arith.constant 0.000000e+00 : f32
      %broadcast_in_dim3A_86 = vector.broadcast %jit3A_85 : f32 to vector<4x64x128xf32>
      %select_n3A_87 = arith.select %eq3A_84, %reshape3A_46, %broadcast_in_dim3A_86 : vector<4x64x128xi1>, vector<4x64x128xf32>
      %reduce_sum3A = arith.constant dense<0.000000e+00> : vector<4xf32>
      %reduce_sum3A_88 = vector.multi_reduction <add>, %select_n3A_87, %reduce_sum3A [1, 2] : vector<4x64x128xf32> to vector<4xf32>
      %broadcast_in_dim3A_89 = vector.shape_cast %reduce_sum3A_88 : vector<4xf32> to vector<4x1x1xf32>
      %jit3A_90 = arith.constant 0.000000e+00 : f32
      %broadcast_in_dim3A_91 = vector.broadcast %jit3A_90 : f32 to vector<4x64x128xf32>
      %select_n3A_92 = arith.select %eq3A_84, %reshape3A_50, %broadcast_in_dim3A_91 : vector<4x64x128xi1>, vector<4x64x128xf32>
      %reduce_sum3A_93 = arith.constant dense<0.000000e+00> : vector<4xf32>
      %reduce_sum3A_94 = vector.multi_reduction <add>, %select_n3A_92, %reduce_sum3A_93 [1, 2] : vector<4x64x128xf32> to vector<4xf32>
      %broadcast_in_dim3A_95 = vector.shape_cast %reduce_sum3A_94 : vector<4xf32> to vector<4x1x1xf32>
      %jit3A_96 = arith.constant 0.000000e+00 : f32
      %broadcast_in_dim3A_97 = vector.broadcast %jit3A_96 : f32 to vector<4x64x128xf32>
      %select_n3A_98 = arith.select %eq3A_84, %reshape3A_54, %broadcast_in_dim3A_97 : vector<4x64x128xi1>, vector<4x64x128xf32>
      %reduce_sum3A_99 = arith.constant dense<0.000000e+00> : vector<4xf32>
      %reduce_sum3A_100 = vector.multi_reduction <add>, %select_n3A_98, %reduce_sum3A_99 [1, 2] : vector<4x64x128xf32> to vector<4xf32>
      %broadcast_in_dim3A_101 = vector.shape_cast %reduce_sum3A_100 : vector<4xf32> to vector<4x1x1xf32>
      scf.yield %broadcast_in_dim3A_89, %broadcast_in_dim3A_95, %broadcast_in_dim3A_101 : vector<4x1x1xf32>, vector<4x1x1xf32>, vector<4x1x1xf32>
    }
    %scan3A_26 = arith.constant 1024 : i32
    return
  }
}

module attributes {stable_mosaic.version = 14 : i64} {
  func.func @_knn_kernel(%arg0: i32, %arg1: i32, %arg2: memref<1x128x3xf32, #tpu.memory_space<vmem>>, %arg3: memref<1x8192x3xf32, #tpu.memory_space<vmem>>, %arg4: memref<1x128x32xi32, #tpu.memory_space<vmem>>, %arg5: memref<128x8192xf32, #tpu.memory_space<vmem>>, %arg6: memref<128x8192xi32, #tpu.memory_space<vmem>>) attributes {dimension_semantics = [#tpu.dimension_semantics<arbitrary>, #tpu.dimension_semantics<arbitrary>], iteration_bounds = array<i64: 4, 8>, scalar_prefetch = 0 : i64, scratch_operands = 2 : i64, tpu.core_type = #tpu.core_type<tc>, window_params = [{transform_indices = @transform_0, window_bounds = array<i64: 1, 128, 3>}, {transform_indices = @transform_1, window_bounds = array<i64: 1, 8192, 3>}, {transform_indices = @transform_2, window_bounds = array<i64: 1, 128, 32>}]} {
    %get3A = arith.constant 0 : index
    %get3A_0 = arith.constant 0 : index
    %get3A_1 = arith.constant 0 : index
    %get3A_2 = vector.load %arg2[%get3A, %get3A_0, %get3A_1] : memref<1x128x3xf32, #tpu.memory_space<vmem>>, vector<1x128x3xf32>
    %get3A_3 = vector.shape_cast %get3A_2 : vector<1x128x3xf32> to vector<128x3xf32>
    %get3A_4 = arith.constant 0 : index
    %get3A_5 = arith.constant 0 : index
    %get3A_6 = arith.constant 0 : index
    %get3A_7 = vector.load %arg3[%get3A_4, %get3A_5, %get3A_6] : memref<1x8192x3xf32, #tpu.memory_space<vmem>>, vector<1x8192x3xf32>
    %get3A_8 = vector.shape_cast %get3A_7 : vector<1x8192x3xf32> to vector<8192x3xf32>
    %mul3A = arith.mulf %get3A_3, %get3A_3 : vector<128x3xf32>
    %reduce_sum3A = arith.constant dense<0.000000e+00> : vector<128xf32>
    %reduce_sum3A_9 = vector.multi_reduction <add>, %mul3A, %reduce_sum3A [1] : vector<128x3xf32> to vector<128xf32>
    %broadcast_in_dim3A = vector.shape_cast %reduce_sum3A_9 : vector<128xf32> to vector<128x1xf32>
    %mul3A_10 = arith.mulf %get3A_8, %get3A_8 : vector<8192x3xf32>
    %reduce_sum3A_11 = arith.constant dense<0.000000e+00> : vector<8192xf32>
    %reduce_sum3A_12 = vector.multi_reduction <add>, %mul3A_10, %reduce_sum3A_11 [1] : vector<8192x3xf32> to vector<8192xf32>
    %broadcast_in_dim3A_13 = vector.shape_cast %reduce_sum3A_12 : vector<8192xf32> to vector<8192x1xf32>
    %dot_general3A = arith.constant dense<0.000000e+00> : vector<128x8192xf32>
    %dot_general3A_14 = tpu.matmul %get3A_3, %get3A_8, %dot_general3A {dimension_numbers = #tpu.dot_dimension_numbers<[1], [1], [0], [0], [0, 0, 1, 0], [], []>, transpose_lhs_hint = false} : vector<128x3xf32>, vector<8192x3xf32>, vector<128x8192xf32> -> vector<128x8192xf32>
    %squeeze3A = vector.shape_cast %broadcast_in_dim3A_13 : vector<8192x1xf32> to vector<8192xf32>
    %broadcast_in_dim3A_15 = vector.shape_cast %squeeze3A : vector<8192xf32> to vector<1x8192xf32>
    %add3A = vector.broadcast %broadcast_in_dim3A : vector<128x1xf32> to vector<128x8192xf32>
    %add3A_16 = vector.broadcast %broadcast_in_dim3A_15 : vector<1x8192xf32> to vector<128x8192xf32>
    %add3A_17 = arith.addf %add3A, %add3A_16 : vector<128x8192xf32>
    %mul3A_18 = arith.constant 2.000000e+00 : f32
    %mul3A_19 = vector.broadcast %mul3A_18 : f32 to vector<128x8192xf32>
    %mul3A_20 = arith.mulf %mul3A_19, %dot_general3A_14 : vector<128x8192xf32>
    %sub3A = arith.subf %add3A_17, %mul3A_20 : vector<128x8192xf32>
    %max3A = arith.constant 0.000000e+00 : f32
    %max3A_21 = vector.broadcast %max3A : f32 to vector<128x8192xf32>
    %max3A_22 = arith.maximumf %sub3A, %max3A_21 : vector<128x8192xf32>
    %swap3A = arith.constant 0 : index
    %swap3A_23 = arith.constant 0 : index
    %swap3A_24 = vector.load %arg5[%swap3A, %swap3A_23] : memref<128x8192xf32, #tpu.memory_space<vmem>>, vector<128x8192xf32>
    tpu.vector_store %arg5[%swap3A, %swap3A_23], %max3A_22 {strides = array<i32>} : memref<128x8192xf32, #tpu.memory_space<vmem>>, vector<128x8192xf32>,
    %iota3A = tpu.iota {dimensions = array<i32: 1>} : vector<128x8192xi32>
    %swap3A_25 = arith.constant 0 : index
    %swap3A_26 = arith.constant 0 : index
    %swap3A_27 = vector.load %arg6[%swap3A_25, %swap3A_26] : memref<128x8192xi32, #tpu.memory_space<vmem>>, vector<128x8192xi32>
    tpu.vector_store %arg6[%swap3A_25, %swap3A_26], %iota3A {strides = array<i32>} : memref<128x8192xi32, #tpu.memory_space<vmem>>, vector<128x8192xi32>,
    %iota3A_28 = tpu.iota {dimensions = array<i32: 1>} : vector<128x32xi32>
    %broadcast_in_dim3A_29 = arith.constant 0 : i32
    %broadcast_in_dim3A_30 = vector.broadcast %broadcast_in_dim3A_29 : i32 to vector<128x32xi32>
    %scan3A = arith.constant 0 : i32
    %scan3A_31 = arith.constant 32 : i32
    %scan3A_32 = arith.addi %scan3A, %scan3A_31 : i32
    %scan3A_33 = arith.constant 1 : i32
    %scan3A_34 = scf.for %scan3A_42 = %scan3A to %scan3A_32 step %scan3A_33 iter_args(%scan3A_43 = %broadcast_in_dim3A_30) -> (vector<128x32xi32>)  : i32 {
      %get3A_44 = arith.constant 0 : index
      %get3A_45 = arith.constant 0 : index
      %get3A_46 = vector.load %arg5[%get3A_44, %get3A_45] : memref<128x8192xf32, #tpu.memory_space<vmem>>, vector<128x8192xf32>
      %get3A_47 = arith.constant 0 : index
      %get3A_48 = arith.constant 0 : index
      %get3A_49 = vector.load %arg6[%get3A_47, %get3A_48] : memref<128x8192xi32, #tpu.memory_space<vmem>>, vector<128x8192xi32>
      %reduce_min3A = arith.constant dense<0x7F800000> : vector<128xf32>
      %reduce_min3A_50 = vector.multi_reduction <minimumf>, %get3A_46, %reduce_min3A [1] : vector<128x8192xf32> to vector<128xf32>
      %broadcast_in_dim3A_51 = vector.shape_cast %reduce_min3A_50 : vector<128xf32> to vector<128x1xf32>
      %eq3A = vector.broadcast %broadcast_in_dim3A_51 : vector<128x1xf32> to vector<128x8192xf32>
      %eq3A_52 = arith.cmpf oeq, %get3A_46, %eq3A : vector<128x8192xf32>
      %jit3A = arith.constant 8192 : i32
      %broadcast_in_dim3A_53 = vector.broadcast %jit3A : i32 to vector<128x8192xi32>
      %select_n3A = arith.select %eq3A_52, %get3A_49, %broadcast_in_dim3A_53 : vector<128x8192xi1>, vector<128x8192xi32>
      %reduce_min3A_54 = arith.constant dense<2147483647> : vector<128xi32>
      %reduce_min3A_55 = vector.multi_reduction <minsi>, %select_n3A, %reduce_min3A_54 [1] : vector<128x8192xi32> to vector<128xi32>
      %broadcast_in_dim3A_56 = vector.shape_cast %reduce_min3A_55 : vector<128xi32> to vector<128x1xi32>
      %eq3A_57 = vector.broadcast %broadcast_in_dim3A_56 : vector<128x1xi32> to vector<128x8192xi32>
      %eq3A_58 = arith.cmpi eq, %get3A_49, %eq3A_57 : vector<128x8192xi32>
      %jit3A_59 = arith.constant 3.000000e+38 : f32
      %broadcast_in_dim3A_60 = vector.broadcast %jit3A_59 : f32 to vector<128x8192xf32>
      %select_n3A_61 = arith.select %eq3A_58, %broadcast_in_dim3A_60, %get3A_46 : vector<128x8192xi1>, vector<128x8192xf32>
      %swap3A_62 = arith.constant 0 : index
      %swap3A_63 = arith.constant 0 : index
      %swap3A_64 = vector.load %arg5[%swap3A_62, %swap3A_63] : memref<128x8192xf32, #tpu.memory_space<vmem>>, vector<128x8192xf32>
      tpu.vector_store %arg5[%swap3A_62, %swap3A_63], %select_n3A_61 {strides = array<i32>} : memref<128x8192xf32, #tpu.memory_space<vmem>>, vector<128x8192xf32>,
      %eq3A_65 = vector.broadcast %scan3A_42 : i32 to vector<128x32xi32>
      %eq3A_66 = arith.cmpi eq, %iota3A_28, %eq3A_65 : vector<128x32xi32>
      %broadcast_in_dim3A_67 = vector.shape_cast %broadcast_in_dim3A_56 : vector<128x1xi32> to vector<128x1xi32>
      %broadcast_in_dim3A_68 = vector.broadcast %broadcast_in_dim3A_67 : vector<128x1xi32> to vector<128x32xi32>
      %select_n3A_69 = arith.select %eq3A_66, %broadcast_in_dim3A_68, %scan3A_43 : vector<128x32xi1>, vector<128x32xi32>
      scf.yield %select_n3A_69 : vector<128x32xi32>
    }
    %scan3A_35 = arith.constant 32 : i32
    %swap3A_36 = arith.constant 0 : index
    %swap3A_37 = arith.constant 0 : index
    %swap3A_38 = arith.constant 0 : index
    %swap3A_39 = vector.load %arg4[%swap3A_36, %swap3A_37, %swap3A_38] : memref<1x128x32xi32, #tpu.memory_space<vmem>>, vector<1x128x32xi32>
    %swap3A_40 = vector.shape_cast %swap3A_39 : vector<1x128x32xi32> to vector<128x32xi32>
    %swap3A_41 = vector.shape_cast %scan3A_34 : vector<128x32xi32> to vector<1x128x32xi32>
    tpu.vector_store %arg4[%swap3A_36, %swap3A_37, %swap3A_38], %swap3A_41 {strides = array<i32>} : memref<1x128x32xi32, #tpu.memory_space<vmem>>, vector<1x128x32xi32>,
    return
  }
  func.func @transform_0(%arg0: i32, %arg1: i32) -> (i32, i32, i32) {
    %c0_i32 = arith.constant 0 : i32
    %c0_i32_0 = arith.constant 0 : i32
    return %arg0, %arg1, %c0_i32 : i32, i32, i32
  }
  func.func @transform_1(%arg0: i32, %arg1: i32) -> (i32, i32, i32) {
    %c0_i32 = arith.constant 0 : i32
    %c0_i32_0 = arith.constant 0 : i32
    %c0_i32_1 = arith.constant 0 : i32
    return %arg0, %c0_i32, %c0_i32_0 : i32, i32, i32
  }
  func.func @transform_2(%arg0: i32, %arg1: i32) -> (i32, i32, i32) {
    %c0_i32 = arith.constant 0 : i32
    %c0_i32_0 = arith.constant 0 : i32
    return %arg0, %arg1, %c0_i32 : i32, i32, i32
  }
}

module attributes {stable_mosaic.version = 14 : i64} {
  func.func @_proj_kernel(%arg0: i32, %arg1: memref<1x8192x3xf32, #tpu.memory_space<vmem>>, %arg2: memref<1x32x8192xf32, #tpu.memory_space<vmem>>, %arg3: memref<1x1024x3xf32, #tpu.memory_space<vmem>>, %arg4: memref<32x3xf32, #tpu.memory_space<vmem>>, %arg5: memref<32x32xf32, #tpu.memory_space<vmem>>, %arg6: memref<1x8192x128xf32, #tpu.memory_space<vmem>>, %arg7: memref<1x1024x32xf32, #tpu.memory_space<vmem>>) attributes {dimension_semantics = [#tpu.dimension_semantics<arbitrary>], iteration_bounds = array<i64: 4>, scalar_prefetch = 0 : i64, scratch_operands = 0 : i64, tpu.core_type = #tpu.core_type<tc>, window_params = [{transform_indices = @transform_0, window_bounds = array<i64: 1, 8192, 3>}, {transform_indices = @transform_1, window_bounds = array<i64: 1, 32, 8192>}, {transform_indices = @transform_2, window_bounds = array<i64: 1, 1024, 3>}, {pipeline_mode = #tpu.pipeline_mode<synchronous>, transform_indices = @transform_3, window_bounds = array<i64: 32, 3>}, {pipeline_mode = #tpu.pipeline_mode<synchronous>, transform_indices = @transform_4, window_bounds = array<i64: 32, 32>}, {transform_indices = @transform_5, window_bounds = array<i64: 1, 8192, 128>}, {transform_indices = @transform_6, window_bounds = array<i64: 1, 1024, 32>}]} {
    %get3A = arith.constant 0 : index
    %get3A_0 = arith.constant 0 : index
    %get3A_1 = arith.constant 0 : index
    %get3A_2 = vector.load %arg1[%get3A, %get3A_0, %get3A_1] : memref<1x8192x3xf32, #tpu.memory_space<vmem>>, vector<1x8192x3xf32>
    %get3A_3 = vector.shape_cast %get3A_2 : vector<1x8192x3xf32> to vector<8192x3xf32>
    %get3A_4 = arith.constant 0 : index
    %get3A_5 = arith.constant 0 : index
    %get3A_6 = arith.constant 0 : index
    %get3A_7 = vector.load %arg2[%get3A_4, %get3A_5, %get3A_6] : memref<1x32x8192xf32, #tpu.memory_space<vmem>>, vector<1x32x8192xf32>
    %get3A_8 = vector.shape_cast %get3A_7 : vector<1x32x8192xf32> to vector<32x8192xf32>
    %get3A_9 = arith.constant 0 : index
    %get3A_10 = arith.constant 0 : index
    %get3A_11 = arith.constant 0 : index
    %get3A_12 = vector.load %arg3[%get3A_9, %get3A_10, %get3A_11] : memref<1x1024x3xf32, #tpu.memory_space<vmem>>, vector<1x1024x3xf32>
    %get3A_13 = vector.shape_cast %get3A_12 : vector<1x1024x3xf32> to vector<1024x3xf32>
    %get3A_14 = arith.constant 0 : index
    %get3A_15 = arith.constant 0 : index
    %get3A_16 = vector.load %arg4[%get3A_14, %get3A_15] : memref<32x3xf32, #tpu.memory_space<vmem>>, vector<32x3xf32>
    %get3A_17 = arith.constant 0 : index
    %get3A_18 = arith.constant 0 : index
    %get3A_19 = vector.load %arg5[%get3A_17, %get3A_18] : memref<32x32xf32, #tpu.memory_space<vmem>>, vector<32x32xf32>
    %dot_general3A = arith.constant dense<0.000000e+00> : vector<8192x32xf32>
    %dot_general3A_20 = tpu.matmul %get3A_3, %get3A_16, %dot_general3A {dimension_numbers = #tpu.dot_dimension_numbers<[1], [1], [0], [0], [0, 0, 1, 0], [], []>, transpose_lhs_hint = false} : vector<8192x3xf32>, vector<32x3xf32>, vector<8192x32xf32> -> vector<8192x32xf32>
    %dot_general3A_21 = arith.constant dense<0.000000e+00> : vector<8192x32xf32>
    %dot_general3A_22 = tpu.matmul %get3A_8, %get3A_19, %dot_general3A_21 {dimension_numbers = #tpu.dot_dimension_numbers<[0], [1], [1], [0], [0, 1, 1, 0], [], []>, transpose_lhs_hint = false} : vector<32x8192xf32>, vector<32x32xf32>, vector<8192x32xf32> -> vector<8192x32xf32>
    %add3A = arith.addf %dot_general3A_20, %dot_general3A_22 : vector<8192x32xf32>
    %broadcast_in_dim3A = arith.constant 0.000000e+00 : f32
    %broadcast_in_dim3A_23 = vector.broadcast %broadcast_in_dim3A : f32 to vector<8192x96xf32>
    %concatenate3A = tpu.concatenate %add3A, %broadcast_in_dim3A_23 in 1 : vector<8192x32xf32>, vector<8192x96xf32> -> vector<8192x128xf32>
    %swap3A = arith.constant 0 : index
    %swap3A_24 = arith.constant 0 : index
    %swap3A_25 = arith.constant 0 : index
    %swap3A_26 = vector.load %arg6[%swap3A, %swap3A_24, %swap3A_25] : memref<1x8192x128xf32, #tpu.memory_space<vmem>>, vector<1x8192x128xf32>
    %swap3A_27 = vector.shape_cast %swap3A_26 : vector<1x8192x128xf32> to vector<8192x128xf32>
    %swap3A_28 = vector.shape_cast %concatenate3A : vector<8192x128xf32> to vector<1x8192x128xf32>
    tpu.vector_store %arg6[%swap3A, %swap3A_24, %swap3A_25], %swap3A_28 {strides = array<i32>} : memref<1x8192x128xf32, #tpu.memory_space<vmem>>, vector<1x8192x128xf32>,
    %dot_general3A_29 = arith.constant dense<0.000000e+00> : vector<1024x32xf32>
    %dot_general3A_30 = tpu.matmul %get3A_13, %get3A_16, %dot_general3A_29 {dimension_numbers = #tpu.dot_dimension_numbers<[1], [1], [0], [0], [0, 0, 1, 0], [], []>, transpose_lhs_hint = false} : vector<1024x3xf32>, vector<32x3xf32>, vector<1024x32xf32> -> vector<1024x32xf32>
    %swap3A_31 = arith.constant 0 : index
    %swap3A_32 = arith.constant 0 : index
    %swap3A_33 = arith.constant 0 : index
    %swap3A_34 = vector.load %arg7[%swap3A_31, %swap3A_32, %swap3A_33] : memref<1x1024x32xf32, #tpu.memory_space<vmem>>, vector<1x1024x32xf32>
    %swap3A_35 = vector.shape_cast %swap3A_34 : vector<1x1024x32xf32> to vector<1024x32xf32>
    %swap3A_36 = vector.shape_cast %dot_general3A_30 : vector<1024x32xf32> to vector<1x1024x32xf32>
    tpu.vector_store %arg7[%swap3A_31, %swap3A_32, %swap3A_33], %swap3A_36 {strides = array<i32>} : memref<1x1024x32xf32, #tpu.memory_space<vmem>>, vector<1x1024x32xf32>,
    return
  }
  func.func @transform_0(%arg0: i32) -> (i32, i32, i32) {
    %c0_i32 = arith.constant 0 : i32
    %c0_i32_0 = arith.constant 0 : i32
    %c0_i32_1 = arith.constant 0 : i32
    return %arg0, %c0_i32, %c0_i32_0 : i32, i32, i32
  }
  func.func @transform_1(%arg0: i32) -> (i32, i32, i32) {
    %c0_i32 = arith.constant 0 : i32
    %c0_i32_0 = arith.constant 0 : i32
    %c0_i32_1 = arith.constant 0 : i32
    return %arg0, %c0_i32, %c0_i32_0 : i32, i32, i32
  }
  func.func @transform_2(%arg0: i32) -> (i32, i32, i32) {
    %c0_i32 = arith.constant 0 : i32
    %c0_i32_0 = arith.constant 0 : i32
    %c0_i32_1 = arith.constant 0 : i32
    return %arg0, %c0_i32, %c0_i32_0 : i32, i32, i32
  }
  func.func @transform_3(%arg0: i32) -> (i32, i32) {
    %c0_i32 = arith.constant 0 : i32
    %c0_i32_0 = arith.constant 0 : i32
    %c0_i32_1 = arith.constant 0 : i32
    return %c0_i32, %c0_i32_0 : i32, i32
  }
  func.func @transform_4(%arg0: i32) -> (i32, i32) {
    %c0_i32 = arith.constant 0 : i32
    %c0_i32_0 = arith.constant 0 : i32
    %c0_i32_1 = arith.constant 0 : i32
    return %c0_i32, %c0_i32_0 : i32, i32
  }
  func.func @transform_5(%arg0: i32) -> (i32, i32, i32) {
    %c0_i32 = arith.constant 0 : i32
    %c0_i32_0 = arith.constant 0 : i32
    %c0_i32_1 = arith.constant 0 : i32
    return %arg0, %c0_i32, %c0_i32_0 : i32, i32, i32
  }
  func.func @transform_6(%arg0: i32) -> (i32, i32, i32) {
    %c0_i32 = arith.constant 0 : i32
    %c0_i32_0 = arith.constant 0 : i32
    %c0_i32_1 = arith.constant 0 : i32
    return %arg0, %c0_i32, %c0_i32_0 : i32, i32, i32
  }
}

module attributes {stable_mosaic.version = 14 : i64} {
  func.func @_passA_kernel(%arg0: i32, %arg1: memref<4096x128xf32, #tpu.memory_space<vmem>>, %arg2: memref<1x128x32xf32, #tpu.memory_space<vmem>>, %arg3: memref<4096x32xf32, #tpu.memory_space<vmem>>, %arg4: memref<8x128xf32, #tpu.memory_space<vmem>>, %arg5: memref<8x128xf32, #tpu.memory_space<vmem>>) attributes {dimension_semantics = [#tpu.dimension_semantics<arbitrary>], iteration_bounds = array<i64: 32>, scalar_prefetch = 0 : i64, scratch_operands = 1 : i64, tpu.core_type = #tpu.core_type<tc>, window_params = [{transform_indices = @transform_0, window_bounds = array<i64: 4096, 128>}, {transform_indices = @transform_1, window_bounds = array<i64: 1, 128, 32>}, {transform_indices = @transform_2, window_bounds = array<i64: 4096, 32>}, {pipeline_mode = #tpu.pipeline_mode<synchronous>, transform_indices = @transform_3, window_bounds = array<i64: 8, 128>}]} {
    %eq3A = arith.constant 0 : i32
    %eq3A_0 = arith.cmpi eq, %arg0, %eq3A : i32
    %convert_element_type3A = arith.extui %eq3A_0 : i1 to i32
    %cond3A = arith.constant 0 : i32
    %cond3A_1 = arith.cmpi ne, %convert_element_type3A, %cond3A : i32
    scf.if %cond3A_1 {
      %broadcast_in_dim3A_36 = arith.constant 0.000000e+00 : f32
      %broadcast_in_dim3A_37 = vector.broadcast %broadcast_in_dim3A_36 : f32 to vector<8x128xf32>
      %swap3A_38 = arith.constant 0 : index
      %swap3A_39 = arith.constant 0 : index
      %swap3A_40 = vector.load %arg5[%swap3A_38, %swap3A_39] : memref<8x128xf32, #tpu.memory_space<vmem>>, vector<8x128xf32>
      tpu.vector_store %arg5[%swap3A_38, %swap3A_39], %broadcast_in_dim3A_37 {strides = array<i32>} : memref<8x128xf32, #tpu.memory_space<vmem>>, vector<8x128xf32>,
    } else {
    }
    %get3A = arith.constant 0 : index
    %get3A_2 = arith.constant 0 : index
    %get3A_3 = vector.load %arg1[%get3A, %get3A_2] : memref<4096x128xf32, #tpu.memory_space<vmem>>, vector<4096x32xf32>
    %get3A_4 = arith.constant 0 : index
    %get3A_5 = arith.constant 0 : index
    %get3A_6 = arith.constant 0 : index
    %get3A_7 = vector.load %arg2[%get3A_4, %get3A_5, %get3A_6] : memref<1x128x32xf32, #tpu.memory_space<vmem>>, vector<1x128x32xf32>
    %get3A_8 = vector.shape_cast %get3A_7 : vector<1x128x32xf32> to vector<128x32xf32>
    %broadcast_in_dim3A = vector.shape_cast %get3A_8 : vector<128x32xf32> to vector<128x1x32xf32>
    %broadcast_in_dim3A_9 = vector.shape_cast %broadcast_in_dim3A : vector<128x1x32xf32> to vector<128x1x32xf32>
    %broadcast_in_dim3A_10 = vector.broadcast %broadcast_in_dim3A_9 : vector<128x1x32xf32> to vector<128x32x32xf32>
    %reshape3A = vector.shape_cast %broadcast_in_dim3A_10 : vector<128x32x32xf32> to vector<4096x32xf32>
    %sub3A = arith.subf %get3A_3, %reshape3A : vector<4096x32xf32>
    %swap3A = arith.constant 0 : index
    %swap3A_11 = arith.constant 0 : index
    %swap3A_12 = vector.load %arg3[%swap3A, %swap3A_11] : memref<4096x32xf32, #tpu.memory_space<vmem>>, vector<4096x32xf32>
    tpu.vector_store %arg3[%swap3A, %swap3A_11], %sub3A {strides = array<i32>} : memref<4096x32xf32, #tpu.memory_space<vmem>>, vector<4096x32xf32>,
    %get3A_13 = arith.constant 0 : index
    %get3A_14 = arith.constant 0 : index
    %get3A_15 = vector.load %arg5[%get3A_13, %get3A_14] : memref<8x128xf32, #tpu.memory_space<vmem>>, vector<1x32xf32>
    %reduce_sum3A = arith.constant dense<0.000000e+00> : vector<32xf32>
    %reduce_sum3A_16 = vector.multi_reduction <add>, %sub3A, %reduce_sum3A [0] : vector<4096x32xf32> to vector<32xf32>
    %broadcast_in_dim3A_17 = vector.shape_cast %reduce_sum3A_16 : vector<32xf32> to vector<1x32xf32>
    %add3A = arith.addf %get3A_15, %broadcast_in_dim3A_17 : vector<1x32xf32>
    %swap3A_18 = arith.constant 0 : index
    %swap3A_19 = arith.constant 0 : index
    %swap3A_20 = vector.load %arg5[%swap3A_18, %swap3A_19] : memref<8x128xf32, #tpu.memory_space<vmem>>, vector<1x32xf32>
    tpu.vector_store %arg5[%swap3A_18, %swap3A_19], %add3A {strides = array<i32>} : memref<8x128xf32, #tpu.memory_space<vmem>>, vector<1x32xf32>,
    %get3A_21 = arith.constant 1 : index
    %get3A_22 = arith.constant 0 : index
    %get3A_23 = vector.load %arg5[%get3A_21, %get3A_22] : memref<8x128xf32, #tpu.memory_space<vmem>>, vector<1x32xf32>
    %mul3A = arith.mulf %sub3A, %sub3A : vector<4096x32xf32>
    %reduce_sum3A_24 = arith.constant dense<0.000000e+00> : vector<32xf32>
    %reduce_sum3A_25 = vector.multi_reduction <add>, %mul3A, %reduce_sum3A_24 [0] : vector<4096x32xf32> to vector<32xf32>
    %broadcast_in_dim3A_26 = vector.shape_cast %reduce_sum3A_25 : vector<32xf32> to vector<1x32xf32>
    %add3A_27 = arith.addf %get3A_23, %broadcast_in_dim3A_26 : vector<1x32xf32>
    %swap3A_28 = arith.constant 1 : index
    %swap3A_29 = arith.constant 0 : index
    %swap3A_30 = vector.load %arg5[%swap3A_28, %swap3A_29] : memref<8x128xf32, #tpu.memory_space<vmem>>, vector<1x32xf32>
    tpu.vector_store %arg5[%swap3A_28, %swap3A_29], %add3A_27 {strides = array<i32>} : memref<8x128xf32, #tpu.memory_space<vmem>>, vector<1x32xf32>,
    %eq3A_31 = arith.constant 31 : i32
    %eq3A_32 = arith.cmpi eq, %arg0, %eq3A_31 : i32
    %convert_element_type3A_33 = arith.extui %eq3A_32 : i1 to i32
    %cond3A_34 = arith.constant 0 : i32
    %cond3A_35 = arith.cmpi ne, %convert_element_type3A_33, %cond3A_34 : i32
    scf.if %cond3A_35 {
      %get3A_36 = arith.constant 0 : index
      %get3A_37 = arith.constant 0 : index
      %get3A_38 = vector.load %arg5[%get3A_36, %get3A_37] : memref<8x128xf32, #tpu.memory_space<vmem>>, vector<8x128xf32>
      %swap3A_39 = arith.constant 0 : index
      %swap3A_40 = arith.constant 0 : index
      %swap3A_41 = vector.load %arg4[%swap3A_39, %swap3A_40] : memref<8x128xf32, #tpu.memory_space<vmem>>, vector<8x128xf32>
      tpu.vector_store %arg4[%swap3A_39, %swap3A_40], %get3A_38 {strides = array<i32>} : memref<8x128xf32, #tpu.memory_space<vmem>>, vector<8x128xf32>,
    } else {
    }
    return
  }
  func.func @transform_0(%arg0: i32) -> (i32, i32) {
    %c0_i32 = arith.constant 0 : i32
    %c0_i32_0 = arith.constant 0 : i32
    return %arg0, %c0_i32 : i32, i32
  }
  func.func @transform_1(%arg0: i32) -> (i32, i32, i32) {
    %c0_i32 = arith.constant 0 : i32
    %c0_i32_0 = arith.constant 0 : i32
    %c0_i32_1 = arith.constant 0 : i32
    return %arg0, %c0_i32, %c0_i32_0 : i32, i32, i32
  }
  func.func @transform_2(%arg0: i32) -> (i32, i32) {
    %c0_i32 = arith.constant 0 : i32
    %c0_i32_0 = arith.constant 0 : i32
    return %arg0, %c0_i32 : i32, i32
  }
  func.func @transform_3(%arg0: i32) -> (i32, i32) {
    %c0_i32 = arith.constant 0 : i32
    %c0_i32_0 = arith.constant 0 : i32
    %c0_i32_1 = arith.constant 0 : i32
    return %c0_i32, %c0_i32_0 : i32, i32
  }
}

module attributes {stable_mosaic.version = 14 : i64} {
  func.func @_passBC_kernel(%arg0: i32, %arg1: memref<4096x32xf32, #tpu.memory_space<vmem>>, %arg2: memref<8x128xf32, #tpu.memory_space<vmem>>, %arg3: memref<1x32xf32, #tpu.memory_space<vmem>>, %arg4: memref<1x32xf32, #tpu.memory_space<vmem>>, %arg5: memref<32x32xf32, #tpu.memory_space<vmem>>, %arg6: memref<4096x32xf32, #tpu.memory_space<vmem>>, %arg7: memref<8x128xf32, #tpu.memory_space<vmem>>, %arg8: memref<8x128xf32, #tpu.memory_space<vmem>>) attributes {dimension_semantics = [#tpu.dimension_semantics<arbitrary>], iteration_bounds = array<i64: 32>, scalar_prefetch = 0 : i64, scratch_operands = 1 : i64, tpu.core_type = #tpu.core_type<tc>, window_params = [{transform_indices = @transform_0, window_bounds = array<i64: 4096, 32>}, {pipeline_mode = #tpu.pipeline_mode<synchronous>, transform_indices = @transform_1, window_bounds = array<i64: 8, 128>}, {pipeline_mode = #tpu.pipeline_mode<synchronous>, transform_indices = @transform_2, window_bounds = array<i64: 1, 32>}, {pipeline_mode = #tpu.pipeline_mode<synchronous>, transform_indices = @transform_3, window_bounds = array<i64: 1, 32>}, {pipeline_mode = #tpu.pipeline_mode<synchronous>, transform_indices = @transform_4, window_bounds = array<i64: 32, 32>}, {transform_indices = @transform_5, window_bounds = array<i64: 4096, 32>}, {pipeline_mode = #tpu.pipeline_mode<synchronous>, transform_indices = @transform_6, window_bounds = array<i64: 8, 128>}]} {
    %eq3A = arith.constant 0 : i32
    %eq3A_0 = arith.cmpi eq, %arg0, %eq3A : i32
    %convert_element_type3A = arith.extui %eq3A_0 : i1 to i32
    %cond3A = arith.constant 0 : i32
    %cond3A_1 = arith.cmpi ne, %convert_element_type3A, %cond3A : i32
    scf.if %cond3A_1 {
      %broadcast_in_dim3A_64 = arith.constant 0.000000e+00 : f32
      %broadcast_in_dim3A_65 = vector.broadcast %broadcast_in_dim3A_64 : f32 to vector<8x128xf32>
      %swap3A_66 = arith.constant 0 : index
      %swap3A_67 = arith.constant 0 : index
      %swap3A_68 = vector.load %arg8[%swap3A_66, %swap3A_67] : memref<8x128xf32, #tpu.memory_space<vmem>>, vector<8x128xf32>
      tpu.vector_store %arg8[%swap3A_66, %swap3A_67], %broadcast_in_dim3A_65 {strides = array<i32>} : memref<8x128xf32, #tpu.memory_space<vmem>>, vector<8x128xf32>,
    } else {
    }
    %get3A = arith.constant 0 : index
    %get3A_2 = arith.constant 0 : index
    %get3A_3 = vector.load %arg1[%get3A, %get3A_2] : memref<4096x32xf32, #tpu.memory_space<vmem>>, vector<4096x32xf32>
    %get3A_4 = arith.constant 0 : index
    %get3A_5 = arith.constant 0 : index
    %get3A_6 = vector.load %arg2[%get3A_4, %get3A_5] : memref<8x128xf32, #tpu.memory_space<vmem>>, vector<1x32xf32>
    %get3A_7 = arith.constant 1 : index
    %get3A_8 = arith.constant 0 : index
    %get3A_9 = vector.load %arg2[%get3A_7, %get3A_8] : memref<8x128xf32, #tpu.memory_space<vmem>>, vector<1x32xf32>
    %mul3A = arith.constant 7.62939453E-6 : f32
    %mul3A_10 = vector.broadcast %mul3A : f32 to vector<1x32xf32>
    %mul3A_11 = arith.mulf %get3A_6, %mul3A_10 : vector<1x32xf32>
    %mul3A_12 = arith.constant 7.62939453E-6 : f32
    %mul3A_13 = vector.broadcast %mul3A_12 : f32 to vector<1x32xf32>
    %mul3A_14 = arith.mulf %get3A_9, %mul3A_13 : vector<1x32xf32>
    %mul3A_15 = arith.mulf %mul3A_11, %mul3A_11 : vector<1x32xf32>
    %sub3A = arith.subf %mul3A_14, %mul3A_15 : vector<1x32xf32>
    %add3A = arith.constant 9.99999974E-6 : f32
    %add3A_16 = vector.broadcast %add3A : f32 to vector<1x32xf32>
    %add3A_17 = arith.addf %sub3A, %add3A_16 : vector<1x32xf32>
    %rsqrt3A = math.rsqrt %add3A_17 : vector<1x32xf32>
    %get3A_18 = arith.constant 0 : index
    %get3A_19 = arith.constant 0 : index
    %get3A_20 = vector.load %arg3[%get3A_18, %get3A_19] : memref<1x32xf32, #tpu.memory_space<vmem>>, vector<1x32xf32>
    %get3A_21 = arith.constant 0 : index
    %get3A_22 = arith.constant 0 : index
    %get3A_23 = vector.load %arg4[%get3A_21, %get3A_22] : memref<1x32xf32, #tpu.memory_space<vmem>>, vector<1x32xf32>
    %sub3A_24 = vector.broadcast %mul3A_11 : vector<1x32xf32> to vector<4096x32xf32>
    %sub3A_25 = arith.subf %get3A_3, %sub3A_24 : vector<4096x32xf32>
    %mul3A_26 = vector.broadcast %rsqrt3A : vector<1x32xf32> to vector<4096x32xf32>
    %mul3A_27 = arith.mulf %sub3A_25, %mul3A_26 : vector<4096x32xf32>
    %mul3A_28 = vector.broadcast %get3A_20 : vector<1x32xf32> to vector<4096x32xf32>
    %mul3A_29 = arith.mulf %mul3A_27, %mul3A_28 : vector<4096x32xf32>
    %add3A_30 = vector.broadcast %get3A_23 : vector<1x32xf32> to vector<4096x32xf32>
    %add3A_31 = arith.addf %mul3A_29, %add3A_30 : vector<4096x32xf32>
    %max3A = arith.constant 0.000000e+00 : f32
    %max3A_32 = vector.broadcast %max3A : f32 to vector<4096x32xf32>
    %max3A_33 = arith.maximumf %add3A_31, %max3A_32 : vector<4096x32xf32>
    %get3A_34 = arith.constant 0 : index
    %get3A_35 = arith.constant 0 : index
    %get3A_36 = vector.load %arg5[%get3A_34, %get3A_35] : memref<32x32xf32, #tpu.memory_space<vmem>>, vector<32x32xf32>
    %dot_general3A = arith.constant dense<0.000000e+00> : vector<4096x32xf32>
    %dot_general3A_37 = tpu.matmul %max3A_33, %get3A_36, %dot_general3A {dimension_numbers = #tpu.dot_dimension_numbers<[1], [1], [0], [0], [0, 0, 1, 0], [], []>, transpose_lhs_hint = false} : vector<4096x32xf32>, vector<32x32xf32>, vector<4096x32xf32> -> vector<4096x32xf32>
    %swap3A = arith.constant 0 : index
    %swap3A_38 = arith.constant 0 : index
    %swap3A_39 = vector.load %arg6[%swap3A, %swap3A_38] : memref<4096x32xf32, #tpu.memory_space<vmem>>, vector<4096x32xf32>
    tpu.vector_store %arg6[%swap3A, %swap3A_38], %dot_general3A_37 {strides = array<i32>} : memref<4096x32xf32, #tpu.memory_space<vmem>>, vector<4096x32xf32>,
    %get3A_40 = arith.constant 0 : index
    %get3A_41 = arith.constant 0 : index
    %get3A_42 = vector.load %arg8[%get3A_40, %get3A_41] : memref<8x128xf32, #tpu.memory_space<vmem>>, vector<1x32xf32>
    %reduce_sum3A = arith.constant dense<0.000000e+00> : vector<32xf32>
    %reduce_sum3A_43 = vector.multi_reduction <add>, %dot_general3A_37, %reduce_sum3A [0] : vector<4096x32xf32> to vector<32xf32>
    %broadcast_in_dim3A = vector.shape_cast %reduce_sum3A_43 : vector<32xf32> to vector<1x32xf32>
    %add3A_44 = arith.addf %get3A_42, %broadcast_in_dim3A : vector<1x32xf32>
    %swap3A_45 = arith.constant 0 : index
    %swap3A_46 = arith.constant 0 : index
    %swap3A_47 = vector.load %arg8[%swap3A_45, %swap3A_46] : memref<8x128xf32, #tpu.memory_space<vmem>>, vector<1x32xf32>
    tpu.vector_store %arg8[%swap3A_45, %swap3A_46], %add3A_44 {strides = array<i32>} : memref<8x128xf32, #tpu.memory_space<vmem>>, vector<1x32xf32>,
    %get3A_48 = arith.constant 1 : index
    %get3A_49 = arith.constant 0 : index
    %get3A_50 = vector.load %arg8[%get3A_48, %get3A_49] : memref<8x128xf32, #tpu.memory_space<vmem>>, vector<1x32xf32>
    %mul3A_51 = arith.mulf %dot_general3A_37, %dot_general3A_37 : vector<4096x32xf32>
    %reduce_sum3A_52 = arith.constant dense<0.000000e+00> : vector<32xf32>
    %reduce_sum3A_53 = vector.multi_reduction <add>, %mul3A_51, %reduce_sum3A_52 [0] : vector<4096x32xf32> to vector<32xf32>
    %broadcast_in_dim3A_54 = vector.shape_cast %reduce_sum3A_53 : vector<32xf32> to vector<1x32xf32>
    %add3A_55 = arith.addf %get3A_50, %broadcast_in_dim3A_54 : vector<1x32xf32>
    %swap3A_56 = arith.constant 1 : index
    %swap3A_57 = arith.constant 0 : index
    %swap3A_58 = vector.load %arg8[%swap3A_56, %swap3A_57] : memref<8x128xf32, #tpu.memory_space<vmem>>, vector<1x32xf32>
    tpu.vector_store %arg8[%swap3A_56, %swap3A_57], %add3A_55 {strides = array<i32>} : memref<8x128xf32, #tpu.memory_space<vmem>>, vector<1x32xf32>,
    %eq3A_59 = arith.constant 31 : i32
    %eq3A_60 = arith.cmpi eq, %arg0, %eq3A_59 : i32
    %convert_element_type3A_61 = arith.extui %eq3A_60 : i1 to i32
    %cond3A_62 = arith.constant 0 : i32
    %cond3A_63 = arith.cmpi ne, %convert_element_type3A_61, %cond3A_62 : i32
    scf.if %cond3A_63 {
      %get3A_64 = arith.constant 0 : index
      %get3A_65 = arith.constant 0 : index
      %get3A_66 = vector.load %arg8[%get3A_64, %get3A_65] : memref<8x128xf32, #tpu.memory_space<vmem>>, vector<8x128xf32>
      %swap3A_67 = arith.constant 0 : index
      %swap3A_68 = arith.constant 0 : index
      %swap3A_69 = vector.load %arg7[%swap3A_67, %swap3A_68] : memref<8x128xf32, #tpu.memory_space<vmem>>, vector<8x128xf32>
      tpu.vector_store %arg7[%swap3A_67, %swap3A_68], %get3A_66 {strides = array<i32>} : memref<8x128xf32, #tpu.memory_space<vmem>>, vector<8x128xf32>,
    } else {
    }
    return
  }
  func.func @transform_0(%arg0: i32) -> (i32, i32) {
    %c0_i32 = arith.constant 0 : i32
    %c0_i32_0 = arith.constant 0 : i32
    return %arg0, %c0_i32 : i32, i32
  }
  func.func @transform_1(%arg0: i32) -> (i32, i32) {
    %c0_i32 = arith.constant 0 : i32
    %c0_i32_0 = arith.constant 0 : i32
    %c0_i32_1 = arith.constant 0 : i32
    return %c0_i32, %c0_i32_0 : i32, i32
  }
  func.func @transform_2(%arg0: i32) -> (i32, i32) {
    %c0_i32 = arith.constant 0 : i32
    %c0_i32_0 = arith.constant 0 : i32
    %c0_i32_1 = arith.constant 0 : i32
    return %c0_i32, %c0_i32_0 : i32, i32
  }
  func.func @transform_3(%arg0: i32) -> (i32, i32) {
    %c0_i32 = arith.constant 0 : i32
    %c0_i32_0 = arith.constant 0 : i32
    %c0_i32_1 = arith.constant 0 : i32
    return %c0_i32, %c0_i32_0 : i32, i32
  }
  func.func @transform_4(%arg0: i32) -> (i32, i32) {
    %c0_i32 = arith.constant 0 : i32
    %c0_i32_0 = arith.constant 0 : i32
    %c0_i32_1 = arith.constant 0 : i32
    return %c0_i32, %c0_i32_0 : i32, i32
  }
  func.func @transform_5(%arg0: i32) -> (i32, i32) {
    %c0_i32 = arith.constant 0 : i32
    %c0_i32_0 = arith.constant 0 : i32
    return %arg0, %c0_i32 : i32, i32
  }
  func.func @transform_6(%arg0: i32) -> (i32, i32) {
    %c0_i32 = arith.constant 0 : i32
    %c0_i32_0 = arith.constant 0 : i32
    %c0_i32_1 = arith.constant 0 : i32
    return %c0_i32, %c0_i32_0 : i32, i32
  }
}

module attributes {stable_mosaic.version = 14 : i64} {
  func.func @_passBC_kernel(%arg0: i32, %arg1: memref<4096x32xf32, #tpu.memory_space<vmem>>, %arg2: memref<8x128xf32, #tpu.memory_space<vmem>>, %arg3: memref<1x32xf32, #tpu.memory_space<vmem>>, %arg4: memref<1x32xf32, #tpu.memory_space<vmem>>, %arg5: memref<64x32xf32, #tpu.memory_space<vmem>>, %arg6: memref<4096x64xf32, #tpu.memory_space<vmem>>, %arg7: memref<8x128xf32, #tpu.memory_space<vmem>>, %arg8: memref<8x128xf32, #tpu.memory_space<vmem>>) attributes {dimension_semantics = [#tpu.dimension_semantics<arbitrary>], iteration_bounds = array<i64: 32>, scalar_prefetch = 0 : i64, scratch_operands = 1 : i64, tpu.core_type = #tpu.core_type<tc>, window_params = [{transform_indices = @transform_0, window_bounds = array<i64: 4096, 32>}, {pipeline_mode = #tpu.pipeline_mode<synchronous>, transform_indices = @transform_1, window_bounds = array<i64: 8, 128>}, {pipeline_mode = #tpu.pipeline_mode<synchronous>, transform_indices = @transform_2, window_bounds = array<i64: 1, 32>}, {pipeline_mode = #tpu.pipeline_mode<synchronous>, transform_indices = @transform_3, window_bounds = array<i64: 1, 32>}, {pipeline_mode = #tpu.pipeline_mode<synchronous>, transform_indices = @transform_4, window_bounds = array<i64: 64, 32>}, {transform_indices = @transform_5, window_bounds = array<i64: 4096, 64>}, {pipeline_mode = #tpu.pipeline_mode<synchronous>, transform_indices = @transform_6, window_bounds = array<i64: 8, 128>}]} {
    %eq3A = arith.constant 0 : i32
    %eq3A_0 = arith.cmpi eq, %arg0, %eq3A : i32
    %convert_element_type3A = arith.extui %eq3A_0 : i1 to i32
    %cond3A = arith.constant 0 : i32
    %cond3A_1 = arith.cmpi ne, %convert_element_type3A, %cond3A : i32
    scf.if %cond3A_1 {
      %broadcast_in_dim3A_64 = arith.constant 0.000000e+00 : f32
      %broadcast_in_dim3A_65 = vector.broadcast %broadcast_in_dim3A_64 : f32 to vector<8x128xf32>
      %swap3A_66 = arith.constant 0 : index
      %swap3A_67 = arith.constant 0 : index
      %swap3A_68 = vector.load %arg8[%swap3A_66, %swap3A_67] : memref<8x128xf32, #tpu.memory_space<vmem>>, vector<8x128xf32>
      tpu.vector_store %arg8[%swap3A_66, %swap3A_67], %broadcast_in_dim3A_65 {strides = array<i32>} : memref<8x128xf32, #tpu.memory_space<vmem>>, vector<8x128xf32>,
    } else {
    }
    %get3A = arith.constant 0 : index
    %get3A_2 = arith.constant 0 : index
    %get3A_3 = vector.load %arg1[%get3A, %get3A_2] : memref<4096x32xf32, #tpu.memory_space<vmem>>, vector<4096x32xf32>
    %get3A_4 = arith.constant 0 : index
    %get3A_5 = arith.constant 0 : index
    %get3A_6 = vector.load %arg2[%get3A_4, %get3A_5] : memref<8x128xf32, #tpu.memory_space<vmem>>, vector<1x32xf32>
    %get3A_7 = arith.constant 1 : index
    %get3A_8 = arith.constant 0 : index
    %get3A_9 = vector.load %arg2[%get3A_7, %get3A_8] : memref<8x128xf32, #tpu.memory_space<vmem>>, vector<1x32xf32>
    %mul3A = arith.constant 7.62939453E-6 : f32
    %mul3A_10 = vector.broadcast %mul3A : f32 to vector<1x32xf32>
    %mul3A_11 = arith.mulf %get3A_6, %mul3A_10 : vector<1x32xf32>
    %mul3A_12 = arith.constant 7.62939453E-6 : f32
    %mul3A_13 = vector.broadcast %mul3A_12 : f32 to vector<1x32xf32>
    %mul3A_14 = arith.mulf %get3A_9, %mul3A_13 : vector<1x32xf32>
    %mul3A_15 = arith.mulf %mul3A_11, %mul3A_11 : vector<1x32xf32>
    %sub3A = arith.subf %mul3A_14, %mul3A_15 : vector<1x32xf32>
    %add3A = arith.constant 9.99999974E-6 : f32
    %add3A_16 = vector.broadcast %add3A : f32 to vector<1x32xf32>
    %add3A_17 = arith.addf %sub3A, %add3A_16 : vector<1x32xf32>
    %rsqrt3A = math.rsqrt %add3A_17 : vector<1x32xf32>
    %get3A_18 = arith.constant 0 : index
    %get3A_19 = arith.constant 0 : index
    %get3A_20 = vector.load %arg3[%get3A_18, %get3A_19] : memref<1x32xf32, #tpu.memory_space<vmem>>, vector<1x32xf32>
    %get3A_21 = arith.constant 0 : index
    %get3A_22 = arith.constant 0 : index
    %get3A_23 = vector.load %arg4[%get3A_21, %get3A_22] : memref<1x32xf32, #tpu.memory_space<vmem>>, vector<1x32xf32>
    %sub3A_24 = vector.broadcast %mul3A_11 : vector<1x32xf32> to vector<4096x32xf32>
    %sub3A_25 = arith.subf %get3A_3, %sub3A_24 : vector<4096x32xf32>
    %mul3A_26 = vector.broadcast %rsqrt3A : vector<1x32xf32> to vector<4096x32xf32>
    %mul3A_27 = arith.mulf %sub3A_25, %mul3A_26 : vector<4096x32xf32>
    %mul3A_28 = vector.broadcast %get3A_20 : vector<1x32xf32> to vector<4096x32xf32>
    %mul3A_29 = arith.mulf %mul3A_27, %mul3A_28 : vector<4096x32xf32>
    %add3A_30 = vector.broadcast %get3A_23 : vector<1x32xf32> to vector<4096x32xf32>
    %add3A_31 = arith.addf %mul3A_29, %add3A_30 : vector<4096x32xf32>
    %max3A = arith.constant 0.000000e+00 : f32
    %max3A_32 = vector.broadcast %max3A : f32 to vector<4096x32xf32>
    %max3A_33 = arith.maximumf %add3A_31, %max3A_32 : vector<4096x32xf32>
    %get3A_34 = arith.constant 0 : index
    %get3A_35 = arith.constant 0 : index
    %get3A_36 = vector.load %arg5[%get3A_34, %get3A_35] : memref<64x32xf32, #tpu.memory_space<vmem>>, vector<64x32xf32>
    %dot_general3A = arith.constant dense<0.000000e+00> : vector<4096x64xf32>
    %dot_general3A_37 = tpu.matmul %max3A_33, %get3A_36, %dot_general3A {dimension_numbers = #tpu.dot_dimension_numbers<[1], [1], [0], [0], [0, 0, 1, 0], [], []>, transpose_lhs_hint = false} : vector<4096x32xf32>, vector<64x32xf32>, vector<4096x64xf32> -> vector<4096x64xf32>
    %swap3A = arith.constant 0 : index
    %swap3A_38 = arith.constant 0 : index
    %swap3A_39 = vector.load %arg6[%swap3A, %swap3A_38] : memref<4096x64xf32, #tpu.memory_space<vmem>>, vector<4096x64xf32>
    tpu.vector_store %arg6[%swap3A, %swap3A_38], %dot_general3A_37 {strides = array<i32>} : memref<4096x64xf32, #tpu.memory_space<vmem>>, vector<4096x64xf32>,
    %get3A_40 = arith.constant 0 : index
    %get3A_41 = arith.constant 0 : index
    %get3A_42 = vector.load %arg8[%get3A_40, %get3A_41] : memref<8x128xf32, #tpu.memory_space<vmem>>, vector<1x64xf32>
    %reduce_sum3A = arith.constant dense<0.000000e+00> : vector<64xf32>
    %reduce_sum3A_43 = vector.multi_reduction <add>, %dot_general3A_37, %reduce_sum3A [0] : vector<4096x64xf32> to vector<64xf32>
    %broadcast_in_dim3A = vector.shape_cast %reduce_sum3A_43 : vector<64xf32> to vector<1x64xf32>
    %add3A_44 = arith.addf %get3A_42, %broadcast_in_dim3A : vector<1x64xf32>
    %swap3A_45 = arith.constant 0 : index
    %swap3A_46 = arith.constant 0 : index
    %swap3A_47 = vector.load %arg8[%swap3A_45, %swap3A_46] : memref<8x128xf32, #tpu.memory_space<vmem>>, vector<1x64xf32>
    tpu.vector_store %arg8[%swap3A_45, %swap3A_46], %add3A_44 {strides = array<i32>} : memref<8x128xf32, #tpu.memory_space<vmem>>, vector<1x64xf32>,
    %get3A_48 = arith.constant 1 : index
    %get3A_49 = arith.constant 0 : index
    %get3A_50 = vector.load %arg8[%get3A_48, %get3A_49] : memref<8x128xf32, #tpu.memory_space<vmem>>, vector<1x64xf32>
    %mul3A_51 = arith.mulf %dot_general3A_37, %dot_general3A_37 : vector<4096x64xf32>
    %reduce_sum3A_52 = arith.constant dense<0.000000e+00> : vector<64xf32>
    %reduce_sum3A_53 = vector.multi_reduction <add>, %mul3A_51, %reduce_sum3A_52 [0] : vector<4096x64xf32> to vector<64xf32>
    %broadcast_in_dim3A_54 = vector.shape_cast %reduce_sum3A_53 : vector<64xf32> to vector<1x64xf32>
    %add3A_55 = arith.addf %get3A_50, %broadcast_in_dim3A_54 : vector<1x64xf32>
    %swap3A_56 = arith.constant 1 : index
    %swap3A_57 = arith.constant 0 : index
    %swap3A_58 = vector.load %arg8[%swap3A_56, %swap3A_57] : memref<8x128xf32, #tpu.memory_space<vmem>>, vector<1x64xf32>
    tpu.vector_store %arg8[%swap3A_56, %swap3A_57], %add3A_55 {strides = array<i32>} : memref<8x128xf32, #tpu.memory_space<vmem>>, vector<1x64xf32>,
    %eq3A_59 = arith.constant 31 : i32
    %eq3A_60 = arith.cmpi eq, %arg0, %eq3A_59 : i32
    %convert_element_type3A_61 = arith.extui %eq3A_60 : i1 to i32
    %cond3A_62 = arith.constant 0 : i32
    %cond3A_63 = arith.cmpi ne, %convert_element_type3A_61, %cond3A_62 : i32
    scf.if %cond3A_63 {
      %get3A_64 = arith.constant 0 : index
      %get3A_65 = arith.constant 0 : index
      %get3A_66 = vector.load %arg8[%get3A_64, %get3A_65] : memref<8x128xf32, #tpu.memory_space<vmem>>, vector<8x128xf32>
      %swap3A_67 = arith.constant 0 : index
      %swap3A_68 = arith.constant 0 : index
      %swap3A_69 = vector.load %arg7[%swap3A_67, %swap3A_68] : memref<8x128xf32, #tpu.memory_space<vmem>>, vector<8x128xf32>
      tpu.vector_store %arg7[%swap3A_67, %swap3A_68], %get3A_66 {strides = array<i32>} : memref<8x128xf32, #tpu.memory_space<vmem>>, vector<8x128xf32>,
    } else {
    }
    return
  }
  func.func @transform_0(%arg0: i32) -> (i32, i32) {
    %c0_i32 = arith.constant 0 : i32
    %c0_i32_0 = arith.constant 0 : i32
    return %arg0, %c0_i32 : i32, i32
  }
  func.func @transform_1(%arg0: i32) -> (i32, i32) {
    %c0_i32 = arith.constant 0 : i32
    %c0_i32_0 = arith.constant 0 : i32
    %c0_i32_1 = arith.constant 0 : i32
    return %c0_i32, %c0_i32_0 : i32, i32
  }
  func.func @transform_2(%arg0: i32) -> (i32, i32) {
    %c0_i32 = arith.constant 0 : i32
    %c0_i32_0 = arith.constant 0 : i32
    %c0_i32_1 = arith.constant 0 : i32
    return %c0_i32, %c0_i32_0 : i32, i32
  }
  func.func @transform_3(%arg0: i32) -> (i32, i32) {
    %c0_i32 = arith.constant 0 : i32
    %c0_i32_0 = arith.constant 0 : i32
    %c0_i32_1 = arith.constant 0 : i32
    return %c0_i32, %c0_i32_0 : i32, i32
  }
  func.func @transform_4(%arg0: i32) -> (i32, i32) {
    %c0_i32 = arith.constant 0 : i32
    %c0_i32_0 = arith.constant 0 : i32
    %c0_i32_1 = arith.constant 0 : i32
    return %c0_i32, %c0_i32_0 : i32, i32
  }
  func.func @transform_5(%arg0: i32) -> (i32, i32) {
    %c0_i32 = arith.constant 0 : i32
    %c0_i32_0 = arith.constant 0 : i32
    return %arg0, %c0_i32 : i32, i32
  }
  func.func @transform_6(%arg0: i32) -> (i32, i32) {
    %c0_i32 = arith.constant 0 : i32
    %c0_i32_0 = arith.constant 0 : i32
    %c0_i32_1 = arith.constant 0 : i32
    return %c0_i32, %c0_i32_0 : i32, i32
  }
}

module attributes {stable_mosaic.version = 14 : i64} {
  func.func @_passD_kernel(%arg0: i32, %arg1: memref<4096x64xf32, #tpu.memory_space<vmem>>, %arg2: memref<8x128xf32, #tpu.memory_space<vmem>>, %arg3: memref<1x64xf32, #tpu.memory_space<vmem>>, %arg4: memref<1x64xf32, #tpu.memory_space<vmem>>, %arg5: memref<128x64xf32, #tpu.memory_space<vmem>>) attributes {dimension_semantics = [#tpu.dimension_semantics<arbitrary>], iteration_bounds = array<i64: 32>, scalar_prefetch = 0 : i64, scratch_operands = 0 : i64, tpu.core_type = #tpu.core_type<tc>, window_params = [{transform_indices = @transform_0, window_bounds = array<i64: 4096, 64>}, {pipeline_mode = #tpu.pipeline_mode<synchronous>, transform_indices = @transform_1, window_bounds = array<i64: 8, 128>}, {pipeline_mode = #tpu.pipeline_mode<synchronous>, transform_indices = @transform_2, window_bounds = array<i64: 1, 64>}, {pipeline_mode = #tpu.pipeline_mode<synchronous>, transform_indices = @transform_3, window_bounds = array<i64: 1, 64>}, {transform_indices = @transform_4, window_bounds = array<i64: 128, 64>}]} {
    %get3A = arith.constant 0 : index
    %get3A_0 = arith.constant 0 : index
    %get3A_1 = vector.load %arg1[%get3A, %get3A_0] : memref<4096x64xf32, #tpu.memory_space<vmem>>, vector<4096x64xf32>
    %get3A_2 = arith.constant 0 : index
    %get3A_3 = arith.constant 0 : index
    %get3A_4 = vector.load %arg2[%get3A_2, %get3A_3] : memref<8x128xf32, #tpu.memory_space<vmem>>, vector<1x64xf32>
    %get3A_5 = arith.constant 1 : index
    %get3A_6 = arith.constant 0 : index
    %get3A_7 = vector.load %arg2[%get3A_5, %get3A_6] : memref<8x128xf32, #tpu.memory_space<vmem>>, vector<1x64xf32>
    %mul3A = arith.constant 7.62939453E-6 : f32
    %mul3A_8 = vector.broadcast %mul3A : f32 to vector<1x64xf32>
    %mul3A_9 = arith.mulf %get3A_4, %mul3A_8 : vector<1x64xf32>
    %mul3A_10 = arith.constant 7.62939453E-6 : f32
    %mul3A_11 = vector.broadcast %mul3A_10 : f32 to vector<1x64xf32>
    %mul3A_12 = arith.mulf %get3A_7, %mul3A_11 : vector<1x64xf32>
    %mul3A_13 = arith.mulf %mul3A_9, %mul3A_9 : vector<1x64xf32>
    %sub3A = arith.subf %mul3A_12, %mul3A_13 : vector<1x64xf32>
    %add3A = arith.constant 9.99999974E-6 : f32
    %add3A_14 = vector.broadcast %add3A : f32 to vector<1x64xf32>
    %add3A_15 = arith.addf %sub3A, %add3A_14 : vector<1x64xf32>
    %rsqrt3A = math.rsqrt %add3A_15 : vector<1x64xf32>
    %get3A_16 = arith.constant 0 : index
    %get3A_17 = arith.constant 0 : index
    %get3A_18 = vector.load %arg3[%get3A_16, %get3A_17] : memref<1x64xf32, #tpu.memory_space<vmem>>, vector<1x64xf32>
    %get3A_19 = arith.constant 0 : index
    %get3A_20 = arith.constant 0 : index
    %get3A_21 = vector.load %arg4[%get3A_19, %get3A_20] : memref<1x64xf32, #tpu.memory_space<vmem>>, vector<1x64xf32>
    %sub3A_22 = vector.broadcast %mul3A_9 : vector<1x64xf32> to vector<4096x64xf32>
    %sub3A_23 = arith.subf %get3A_1, %sub3A_22 : vector<4096x64xf32>
    %mul3A_24 = vector.broadcast %rsqrt3A : vector<1x64xf32> to vector<4096x64xf32>
    %mul3A_25 = arith.mulf %sub3A_23, %mul3A_24 : vector<4096x64xf32>
    %mul3A_26 = vector.broadcast %get3A_18 : vector<1x64xf32> to vector<4096x64xf32>
    %mul3A_27 = arith.mulf %mul3A_25, %mul3A_26 : vector<4096x64xf32>
    %add3A_28 = vector.broadcast %get3A_21 : vector<1x64xf32> to vector<4096x64xf32>
    %add3A_29 = arith.addf %mul3A_27, %add3A_28 : vector<4096x64xf32>
    %max3A = arith.constant 0.000000e+00 : f32
    %max3A_30 = vector.broadcast %max3A : f32 to vector<4096x64xf32>
    %max3A_31 = arith.maximumf %add3A_29, %max3A_30 : vector<4096x64xf32>
    %reshape3A = vector.shape_cast %max3A_31 : vector<4096x64xf32> to vector<128x32x64xf32>
    %reduce_max3A = arith.constant dense<0xFF800000> : vector<128x64xf32>
    %reduce_max3A_32 = vector.multi_reduction <maximumf>, %reshape3A, %reduce_max3A [1] : vector<128x32x64xf32> to vector<128x64xf32>
    %swap3A = arith.constant 0 : index
    %swap3A_33 = arith.constant 0 : index
    %swap3A_34 = vector.load %arg5[%swap3A, %swap3A_33] : memref<128x64xf32, #tpu.memory_space<vmem>>, vector<128x64xf32>
    tpu.vector_store %arg5[%swap3A, %swap3A_33], %reduce_max3A_32 {strides = array<i32>} : memref<128x64xf32, #tpu.memory_space<vmem>>, vector<128x64xf32>,
    return
  }
  func.func @transform_0(%arg0: i32) -> (i32, i32) {
    %c0_i32 = arith.constant 0 : i32
    %c0_i32_0 = arith.constant 0 : i32
    return %arg0, %c0_i32 : i32, i32
  }
  func.func @transform_1(%arg0: i32) -> (i32, i32) {
    %c0_i32 = arith.constant 0 : i32
    %c0_i32_0 = arith.constant 0 : i32
    %c0_i32_1 = arith.constant 0 : i32
    return %c0_i32, %c0_i32_0 : i32, i32
  }
  func.func @transform_2(%arg0: i32) -> (i32, i32) {
    %c0_i32 = arith.constant 0 : i32
    %c0_i32_0 = arith.constant 0 : i32
    %c0_i32_1 = arith.constant 0 : i32
    return %c0_i32, %c0_i32_0 : i32, i32
  }
  func.func @transform_3(%arg0: i32) -> (i32, i32) {
    %c0_i32 = arith.constant 0 : i32
    %c0_i32_0 = arith.constant 0 : i32
    %c0_i32_1 = arith.constant 0 : i32
    return %c0_i32, %c0_i32_0 : i32, i32
  }
  func.func @transform_4(%arg0: i32) -> (i32, i32) {
    %c0_i32 = arith.constant 0 : i32
    %c0_i32_0 = arith.constant 0 : i32
    return %arg0, %c0_i32 : i32, i32
  }
}

</mosaic_0001>

<sc_bundles>
// kernel: kernel.10.cloned.1.call-start
scs
__scs_entry_jumppad:
0x0: {  	(pc) =	sbr.rel $0x88, $3  }
0x1: {  	(tag) =	ssettag $0x0;
	lr =	simm.s32 $0x1  }
0x2: {  	[smem:$0x3F96] =	sst lr;
	_ =	strace $0xD0000000  }
0x3: {  	_ = 	snop  }
0x4: {  	_ = 	snop  }
0x5: {  	_ = 	snop  }
0x6: {  	_ = 	snop  }
0x7: {  	_ = 	snop  }
__scs_overlays_trampoline_lowered:
0x8: {  	[smem:$0x3FA5] =	sst s0  }
0x9: {  	[smem:$0x3FA6] =	sst s1  }
0xa: {  	[smem:$0x3FA7] =	sst s2  }
0xb: {  	[smem:$0x3FA8] =	sst s3  }
0xc: {  	[smem:$0x3FA9] =	sst s4  }
0xd: {  	[smem:$0x3FAA] =	sst s5  }
0xe: {  	[smem:$0x3FAB] =	sst s6  }
0xf: {  	[smem:$0x3FAC] =	sst s7  }
0x10: {  	[smem:$0x3FAD] =	sst s8  }
0x11: {  	[smem:$0x3FAE] =	sst s9;
	s0 =	simm.s32 @!p0 $0x0  }
0x12: {  	s1 =	sld [smem:$0x3F94];
	s0 =	simm.s32 @p0 $0x1  }
0x13: {  	[smem:$0x3FAF] =	sst s0;
	s0 =	simm.s32 @!p1 $0x0  }
0x14: {  	s2 =	sld [smem:$0x3F93];
	s0 =	simm.s32 @p1 $0x1  }
0x15: {  	[smem:$0x3FB0] =	sst s0;
	s0 =	simm.s32 @!p2 $0x0  }
0x16: {  	s3 =	sld [smem:$0x3FDB];
	s0 =	simm.s32 @p2 $0x1  }
0x17: {  	s4 =	simm.s32 $0x1BF5;
	[smem:$0x3FB2] =	sst s0  }
0x18: {  	s0 =	sld [smem:$0x3F95];
	_ =	swait.ge [sflag:s4], $0x0  }
0x19: {  	s7 =	sld [smem:$0x3F96]  }
0x1a: {  	s8 =	sadd.s32 $0xFFFFE003, lr  }
0x1b: {  	s9 =	sadd.s32 $0xFFFFFEF7, lr;
	s5 =	simm.s32 $0xFFFFFFFF;
	p2 =	slt.u32 s8, $0xFFFFF086  }
0x1c: {  	p1 =	slt.u32 s9, $0xF7A;
	s5 =	simm.s32 @!p2 $0x0  }
0x1d: {  	s5 =	simm.s32 @p1 $0x1;
	p0 =	seq.s32 s7, s2  }
0x1e: {  	s7 =	smul.u32 @!p0 $0xF7A, s2;
	p2 =	seq.s32 @!p0 s5, $0x0  }
0x1f: {  	s9 =	smul.u32 $0xF7A, s1;
	s8 =	simm.s32 @!p0 $0x1BF5;
	p2 =	por !p2, p0  }
0x20: {  	[sflag:s8] =	ssyncset.s32 @!p0 $0xFFFFF086;
	s6 =	sadd.s32 @!p0 s3, s7;
	s7 =	simm.s32 @!p0 $0x108  }
0x21: {  	s3 =	sadd.s32 s3, s9;
	s6 =	sadd.s32 @!p0 $0x88, s6;
	s7 =	simm.s32 @p2 $0x1082  }
0x22: {  	[simem:s7], [sflag:s8] =	dma.local @!p0 [hbm:s6], $0xF7A  }
0x23: {  	s9 =	sor.u32 $0xD0000000, s2;
	s6 =	simm.s32 $0x108;
	_ =	swait.ge @!p0 [sflag:s8], $0x0  }
0x24: {  	s3 =	sadd.s32 $0x88, s3;
	s6 =	simm.s32 @!p1 $0x1082;
	[sflag:s4] =	ssyncset.s32 $0xFFFFF086  }
0x25: {  	[simem:s6], [sflag:s4] =	dma.local [hbm:s3], $0xF7A  }
0x26: {  	[smem:$0x3F96] =	sst s1;
	(tag) =	ssettag s2;
	_ =	strace s9  }
0x27: {  	s1 =	sld [smem:$0x3FA6]  }
0x28: {  	s2 =	sld [smem:$0x3FA7]  }
0x29: {  	s4 =	sld [smem:$0x3FA9]  }
0x2a: {  	p0 =	seq.s32 s5, $0x0;
	s5 =	sld [smem:$0x3FAA]  }
0x2b: {  	s6 =	sld [smem:$0x3FAB]  }
0x2c: {  	s7 =	sld [smem:$0x3FAC]  }
0x2d: {  	s3 =	simm.s32 $0x108;
	s8 =	sld [smem:$0x3FAD]  }
0x2e: {  	s3 =	simm.s32 @!p0 $0x1082;
	s9 =	sld [smem:$0x3FAE]  }
0x2f: {  	lr =	sadd.s32 s0, s3;
	s0 =	sld [smem:$0x3FA5]  }
0x30: {  	s3 =	sld [smem:$0x3FA8]  }
0x31: {  	[smem:$0x3FB1] =	sst s10  }
0x32: {  	s10 =	sld [smem:$0x3FAF];
	_ =	sdelay $0x3  }
0x33: {  	p0 =	seq.s32 s10, $0x1;
	s10 =	sld [smem:$0x3FB1];
	_ =	sdelay $0x3  }
0x34: {  	[smem:$0x3FB1] =	sst s10  }
0x35: {  	s10 =	sld [smem:$0x3FB0];
	_ =	sdelay $0x3  }
0x36: {  	p1 =	seq.s32 s10, $0x1;
	s10 =	sld [smem:$0x3FB1];
	_ =	sdelay $0x3  }
0x37: {  	[smem:$0x3FB1] =	sst s10  }
0x38: {  	s10 =	sld [smem:$0x3FB2]  }
0x39: {  	_ = 	snop;
	(pc) =	sbr.ind lr, $3  }
0x3a: {  	_ = 	snop  }
0x3b: {  	_ = 	snop  }
0x3c: {  	p2 =	seq.s32 s10, $0x1;
	s10 =	sld [smem:$0x3FB1]  }
0x3d: {  	_ =	shalt  }
0x3e: {  	_ =	shalt  }
0x3f: {  	_ =	shalt  }
0x40: {  	_ =	shalt  }
0x41: {  	_ =	shalt  }
0x42: {  	_ =	shalt  }
0x43: {  	_ =	shalt  }
0x44: {  	_ =	shalt  }
0x45: {  	_ =	shalt  }
0x46: {  	_ =	shalt  }
0x47: {  	_ =	shalt  }
0x48: {  	_ =	shalt  }
0x49: {  	_ =	shalt  }
0x4a: {  	_ =	shalt  }
0x4b: {  	_ =	shalt  }
0x4c: {  	_ =	shalt  }
0x4d: {  	_ =	shalt  }
0x4e: {  	_ =	shalt  }
0x4f: {  	_ =	shalt  }
0x50: {  	_ =	shalt  }
0x51: {  	_ =	shalt  }
0x52: {  	_ =	shalt  }
0x53: {  	_ =	shalt  }
0x54: {  	_ =	shalt  }
0x55: {  	_ =	shalt  }
0x56: {  	_ =	shalt  }
0x57: {  	_ =	shalt  }
0x58: {  	_ =	shalt  }
0x59: {  	_ =	shalt  }
0x5a: {  	_ =	shalt  }
0x5b: {  	_ =	shalt  }
0x5c: {  	_ =	shalt  }
0x5d: {  	_ =	shalt  }
0x5e: {  	_ =	shalt  }
0x5f: {  	_ =	shalt  }
0x60: {  	_ =	shalt  }
0x61: {  	_ =	shalt  }
0x62: {  	_ =	shalt  }
0x63: {  	_ =	shalt  }
0x64: {  	_ =	shalt  }
0x65: {  	_ =	shalt  }
0x66: {  	_ =	shalt  }
0x67: {  	_ =	shalt  }
0x68: {  	_ =	shalt  }
0x69: {  	_ =	shalt  }
0x6a: {  	_ =	shalt  }
0x6b: {  	_ =	shalt  }
0x6c: {  	_ =	shalt  }
0x6d: {  	_ =	shalt  }
0x6e: {  	_ =	shalt  }
0x6f: {  	_ =	shalt  }
0x70: {  	_ =	shalt  }
0x71: {  	_ =	shalt  }
0x72: {  	_ =	shalt  }
0x73: {  	_ =	shalt  }
0x74: {  	_ =	shalt  }
0x75: {  	_ =	shalt  }
0x76: {  	_ =	shalt  }
0x77: {  	_ =	shalt  }
0x78: {  	_ =	shalt  }
0x79: {  	_ =	shalt  }
0x7a: {  	_ =	shalt  }
0x7b: {  	_ =	shalt  }
0x7c: {  	_ =	shalt  }
0x7d: {  	_ =	shalt  }
0x7e: {  	_ =	shalt  }
0x7f: {  	_ =	shalt  }
0x80: {  	_ =	shalt  }
0x81: {  	_ =	shalt  }
0x82: {  	_ =	shalt  }
0x83: {  	_ =	shalt  }
0x84: {  	_ =	shalt  }
0x85: {  	_ =	shalt  }
0x86: {  	_ =	shalt  }
0x87: {  	_ =	shalt  }
.Lfunc_end0:
.L_simem_size_0:
called_computation_lowered:
.L_overlay_start_0:
0x88: {  	s2 =	sld [smem:$0x3FD9]  }
0x89: {  	s3 =	sld [smem:$0x3FFE];
	_ =	sdelay $0x1  }
0x8a: {  	s1 =	srdreg.scid  }
0x8b: {  	s0 =	sand.u32 $0x1, s1  }
0x8c: {  	s14 =	sshll.u32 s0, $0xA;
	s2 =	sadd.s32 s3, s2  }
0x8d: {  	s2 =	sadd.s32 s2, s14  }
0x8e: {  	[smem:$0x3FBD] =	sst s2  }
0x8f: {  	_ = 	snop  }
0x90: {  	s2 =	sld [smem:$0x3FD0];
	_ =	sdelay $0x2  }
0x91: {  	s15 =	simm.s32 $0xA;
	s4 =	simm.s32 $0x10  }
0x92: {  	[smem:s4], [sflag:s15] =	dma.local [hbm:s2], $0x1  }
0x93: {  	_ =	swait.eq [sflag:s15], $0x1  }
0x94: {  	[sflag:s15] =	ssyncset.done $0x0  }
0x95: {  	[sflag:s15] =	ssyncadd.s32 $0xFFFFFFFF  }
0x96: {  	s16 =	sld [smem:$0x11];
	(tm) =	ssettm $0x1  }
0x97: {  	s17 =	sld [smem:$0x3FFB];
	_ =	sdelay $0x3  }
0x98: {  	_ =	strace s17  }
0x99: {  	s3 =	sld [smem:$0x3FFC];
	_ =	sdelay $0x3  }
0x9a: {  	_ =	strace s3  }
0x9b: {  	s3 =	sld [smem:$0x3FFD];
	_ =	sdelay $0x3  }
0x9c: {  	_ =	strace s3  }
0x9d: {  	_ =	strace $0x8FFFFFFF  }
0x9e: {  	s18 =	sld [smem:$0x3FDB];
	_ =	sdelay $0x1  }
0x9f: {  	s19 =	simm.s32 $_scs_section_size  }
0xa0: {  	s5 =	simm.s32 $_size__tile_overlayer_lowered;
	s6 =	simm.s32 $_tile_overlayer_lowered  }
0xa1: {  	s22 =	simm.s32 $0x1BFF;
	s21 =	sshll.u32 s6, $0x1;
	s3 =	sadd.s32 s19, s18  }
0xa2: {  	s7 =	simm.s32 $0x0;
	s20 =	sshll.u32 s5, $0x1;
	s5 =	sadd.s32 s21, s3  }
0xa3: {  	[timem:s7], [sflag:s22] =	dma.local [hbm:s5], s20  }
0xa4: {  	_ =	swait.ge [sflag:s22], s20  }
0xa5: {  	s4 =	ssub.s32 $0x0, s20;
	[sflag:s22] =	ssyncset.done $0x0  }
0xa6: {  	[sflag:s22] =	ssyncadd.s32 s4;
	_ =	sdelay $0x1  }
0xa7: {  	s23 =	simm.s32 $0x1B8B  }
0xa8: {  	_ =	swait.ge [sflag:s23], $0x1  }
0xa9: {  	[sflag:s23] =	ssyncset.done $0x0  }
0xaa: {  	s25 =	simm.s32 $0x1B8E;
	s24 =	sld [smem:$0x3FFE];
	[sflag:s23] =	ssyncadd.s32 $0xFFFFFFFF  }
0xab: {  	s26 =	simm.s32 $execute0_lowered;
	[smem:$0x3FD2] =	sst s25  }
0xac: {  	s5 =	sshll.u32 s26, $0x1;
	_ =	strace $0x80000046;
	[dreg:$0x1] =	wrdreg $0xFFFFFFFF  }
0xad: {  	s28 =	simm.s32 $_size_execute0_lowered;
	s3 =	sadd.s32 s3, s5;
	[dreg:$0x0] =	wrdreg $0x0  }
0xae: {  	s5 =	sshll.u32 s28, $0x1;
	[dreg:$0x2] =	wrdreg s3  }
0xaf: {  	[dreg:$0x3] =	wrdreg s5  }
0xb0: {  	[dreg:$0x4] =	wrdreg $0xC0  }
0xb1: {  	_ =	task [dreg:s7], $0x5FFFF  }
0xb2: {  	[dreg:$0x1] =	wrdreg $0xFFFFFFFF  }
0xb3: {  	[dreg:$0x0] =	wrdreg $0x60  }
0xb4: {  	[dreg:$0x2] =	wrdreg s24  }
0xb5: {  	[dreg:$0x3] =	wrdreg s16  }
0xb6: {  	[dreg:$0x4] =	wrdreg $0x9  }
0xb7: {  	_ =	task.clear_ibuf [dreg:s7], $0x5FFFF;
	_ =	strace $0x90000046  }
0xb8: {  	s29 =	simm.s32 $0x9;
	_ =	strace $0x80000048  }
0xb9: {  	_ =	swait.ge [sflag:s29], $0x1  }
0xba: {  	[sflag:s29] =	ssyncadd.s32 $0xFFFFFFFF  }
0xbb: {  	_ =	strace $0x90000048  }
0xbc: {  	_ =	sfence  }
0xbd: {  	s30 =	sld [smem:$0x0];
	_ =	sdelay $0x2  }
0xbe: {  	s31 =	sshll.u32 s1, $0xD;
	s1 =	sshrl.u32 s1, $0x2  }
0xbf: {  	s3 =	sand.u32 $0x4000, s31;
	s1 =	sadd.s32 s1, s30  }
0xc0: {  	s0 =	sor.u32 s3, s0;
	s1 =	sshll.u32 s1, $0x11  }
0xc1: {  	s0 =	sor.u32 s1, s0  }
0xc2: {  	s0 =	sadd.s32 $0x8F2B, s0  }
0xc3: {  	[sflag:s0] =	ssyncadd.remote.s32 $0x1  }
0xc4: {  	_ =	sfence.sel $0xFFFF  }
0xc5: {  	[dreg:$0x0] =	wrdreg $0xFFFFFFFF;
	(pc) =	sbr.abs _section_cstart, $3  }
0xc6: {  	[dreg:$0x1] =	wrdreg $0xFFFFFFFF  }
0xc7: {  	_ =	task.clear_ibuf [dreg:s7], $0x2FFFF;
	_ =	strace $0x9FFFFFFF  }
0xc8: {  	(tm) =	ssettm $0x7FFFFFFF  }
0xc9: {  	_ =	shalt  }
tec
execute0_lowered:
.L_overlay_start_1:
0x0: {  	(tag) =	ssettag $0x1  }
0x1: {  	s1 =	srdreg.scid  }
0x2: {  	s0 =	stileid.u32;
	s1 =	sand.u32 $0x1, s1  }
0x3: {  	s4 =	rddreg [dreg:$0x0];
	s5 =	sshll.u32 s0, $0xD;
	s6 =	sshll.u32 s1, $0xC  }
0x4: {  	s3 =	rddreg [dreg:$0x1];
	s5 =	sor.u32 s6, s5  }
0x5: {  	s2 =	simm.s32 $0x0;
	s6 =	sshll.u32 s5, $0x4;
	s5 =	sshrl.u32 s5, $0x3  }
0x6: {  	[smem:$0x7FF] =	sst s2;
	s30 =	sadd.s32 s6, s4;
	s3 =	sadd.s32 s3, s5  }
0x7: {  	_ =	strace $0x80000047;
	[dreg:$0x3] =	wrdreg s3;
	s17 =	sadd.s32 $0x102800, s30  }
0x8: {  	s18 =	sadd.s32 $0x103800, s30;
	[dreg:$0x4] =	wrdreg s17  }
0x9: {  	s19 =	sadd.s32 $0x110800, s30;
	[dreg:$0x5] =	wrdreg s18  }
0xa: {  	s20 =	sadd.s32 $0x111800, s30;
	[dreg:$0x6] =	wrdreg s19  }
0xb: {  	s21 =	sadd.s32 $0x104800, s30;
	[dreg:$0x7] =	wrdreg s20  }
0xc: {  	s22 =	sadd.s32 $0x105800, s30;
	[dreg:$0x8] =	wrdreg s21  }
0xd: {  	s23 =	sadd.s32 $0x106800, s30;
	[dreg:$0x9] =	wrdreg s22  }
0xe: {  	[dreg:$0xa] =	wrdreg s23  }
0xf: {  	s24 =	sadd.s32 $0x107800, s30;
	s25 =	rddreg [dreg:$0x3]  }
0x10: {  	s26 =	sadd.s32 $0x108800, s30;
	[dreg:$0xb] =	wrdreg s24  }
0x11: {  	s3 =	simm.s32 $0x3;
	[dreg:$0xc] =	wrdreg s26  }
0x12: {  	[tilespmem:s2], [sflag:$0x3] =	stream.linear.gather [hbm4b:s25+s2], $0x1000, $0x38;
	[tilespmem:$0x11000] =	vst v63  }
0x13: {  	_ =	swait.ge [sflag:s3], $0x1000  }
0x14: {  	s4 =	sadd.s32 $0x82800, s4;
	[sflag:s3] =	ssyncset.done $0x0  }
0x15: {  	s5 =	simm.s32 $0x100;
	s6 =	simm.s32 $0x1000;
	[sflag:s3] =	ssyncadd.s32 $0xFFFFF000  }
0x16: {  	[tilespmem:s6], [sflag:$0x1] =	stream.indirect.gather [hbm4b:s4+s5], $0x80, s2, s5, $0xb8;
	[tilespmem:$0x11000] =	vst v63  }
0x17: {  	s7 =	simm.s32 $0x9000;
	s8 =	simm.s32 $0x1  }
0x18: {  	[tilespmem:s7], [sflag:$0x2] =	stream.indirect.gather [hbm4b:s4+s5], $0x80, s5, s5, $0xb8;
	[tilespmem:$0x11000] =	vst v63  }
0x19: {  	_ =	swait.ge [sflag:s8], $0x8000  }
0x1a: {  	[sflag:s8] =	ssyncset.done $0x0  }
0x1b: {  	s9 =	rddreg [dreg:$0x4];
	[sflag:s8] =	ssyncadd.s32 $0xFFFF8000  }
0x1c: {  	[hbm4b:s9+s2] =	stream.linear.scatter [tilespmem:s6], [sflag:$0x3], $0x8000, $0x38;
	[tilespmem:$0x11000] =	vst v63  }
0x1d: {  	_ =	swait.ge [sflag:s3], $0x8000  }
0x1e: {  	[sflag:s3] =	ssyncset.done $0x0  }
0x1f: {  	s10 =	simm.s32 $0x200;
	s9 =	simm.s32 $0x2;
	[sflag:s3] =	ssyncadd.s32 $0xFFFF8000  }
0x20: {  	[tilespmem:s6], [sflag:$0x1] =	stream.indirect.gather [hbm4b:s4+s5], $0x80, s10, s5, $0xb8;
	[tilespmem:$0x11000] =	vst v63  }
0x21: {  	_ =	swait.ge [sflag:s9], $0x8000  }
0x22: {  	[sflag:s9] =	ssyncset.done $0x0  }
0x23: {  	s11 =	rddreg [dreg:$0x5];
	[sflag:s9] =	ssyncadd.s32 $0xFFFF8000  }
0x24: {  	[hbm4b:s11+s2] =	stream.linear.scatter [tilespmem:s7], [sflag:$0x3], $0x8000, $0x38;
	[tilespmem:$0x11000] =	vst v63  }
0x25: {  	_ =	swait.ge [sflag:s3], $0x8000  }
0x26: {  	[sflag:s3] =	ssyncset.done $0x0  }
0x27: {  	s11 =	simm.s32 $0x300;
	[sflag:s3] =	ssyncadd.s32 $0xFFFF8000  }
0x28: {  	[tilespmem:s7], [sflag:$0x2] =	stream.indirect.gather [hbm4b:s4+s5], $0x80, s11, s5, $0xb8;
	[tilespmem:$0x11000] =	vst v63  }
0x29: {  	_ =	swait.ge [sflag:s8], $0x8000  }
0x2a: {  	[sflag:s8] =	ssyncset.done $0x0  }
0x2b: {  	s12 =	rddreg [dreg:$0x8];
	[sflag:s8] =	ssyncadd.s32 $0xFFFF8000  }
0x2c: {  	[hbm4b:s12+s2] =	stream.linear.scatter [tilespmem:s6], [sflag:$0x3], $0x8000, $0x38;
	[tilespmem:$0x11000] =	vst v63  }
0x2d: {  	_ =	swait.ge [sflag:s3], $0x8000  }
0x2e: {  	[sflag:s3] =	ssyncset.done $0x0  }
0x2f: {  	s12 =	simm.s32 $0x400;
	[sflag:s3] =	ssyncadd.s32 $0xFFFF8000  }
0x30: {  	[tilespmem:s6], [sflag:$0x1] =	stream.indirect.gather [hbm4b:s4+s5], $0x80, s12, s5, $0xb8;
	[tilespmem:$0x11000] =	vst v63  }
0x31: {  	_ =	swait.ge [sflag:s9], $0x8000  }
0x32: {  	[sflag:s9] =	ssyncset.done $0x0  }
0x33: {  	s13 =	rddreg [dreg:$0x9];
	[sflag:s9] =	ssyncadd.s32 $0xFFFF8000  }
0x34: {  	[hbm4b:s13+s2] =	stream.linear.scatter [tilespmem:s7], [sflag:$0x3], $0x8000, $0x38;
	[tilespmem:$0x11000] =	vst v63  }
0x35: {  	_ =	swait.ge [sflag:s3], $0x8000  }
0x36: {  	[sflag:s3] =	ssyncset.done $0x0  }
0x37: {  	s13 =	simm.s32 $0x500;
	[sflag:s3] =	ssyncadd.s32 $0xFFFF8000  }
0x38: {  	[tilespmem:s7], [sflag:$0x2] =	stream.indirect.gather [hbm4b:s4+s5], $0x80, s13, s5, $0xb8;
	[tilespmem:$0x11000] =	vst v63  }
0x39: {  	_ =	swait.ge [sflag:s8], $0x8000  }
0x3a: {  	[sflag:s8] =	ssyncset.done $0x0  }
0x3b: {  	s14 =	rddreg [dreg:$0xa];
	[sflag:s8] =	ssyncadd.s32 $0xFFFF8000  }
0x3c: {  	[hbm4b:s14+s2] =	stream.linear.scatter [tilespmem:s6], [sflag:$0x3], $0x8000, $0x38;
	[tilespmem:$0x11000] =	vst v63  }
0x3d: {  	_ =	swait.ge [sflag:s3], $0x8000  }
0x3e: {  	[sflag:s3] =	ssyncset.done $0x0  }
0x3f: {  	s14 =	simm.s32 $0x600;
	[sflag:s3] =	ssyncadd.s32 $0xFFFF8000  }
0x40: {  	[tilespmem:s6], [sflag:$0x1] =	stream.indirect.gather [hbm4b:s4+s5], $0x80, s14, s5, $0xb8;
	[tilespmem:$0x11000] =	vst v63  }
0x41: {  	_ =	swait.ge [sflag:s9], $0x8000  }
0x42: {  	[sflag:s9] =	ssyncset.done $0x0  }
0x43: {  	s15 =	rddreg [dreg:$0xb];
	[sflag:s9] =	ssyncadd.s32 $0xFFFF8000  }
0x44: {  	[hbm4b:s15+s2] =	stream.linear.scatter [tilespmem:s7], [sflag:$0x3], $0x8000, $0x38;
	[tilespmem:$0x11000] =	vst v63  }
0x45: {  	_ =	swait.ge [sflag:s3], $0x8000  }
0x46: {  	[sflag:s3] =	ssyncset.done $0x0  }
0x47: {  	s15 =	simm.s32 $0x700;
	[sflag:s3] =	ssyncadd.s32 $0xFFFF8000  }
0x48: {  	[tilespmem:s7], [sflag:$0x2] =	stream.indirect.gather [hbm4b:s4+s5], $0x80, s15, s5, $0xb8;
	[tilespmem:$0x11000] =	vst v63  }
0x49: {  	_ =	swait.ge [sflag:s8], $0x8000  }
0x4a: {  	[sflag:s8] =	ssyncset.done $0x0  }
0x4b: {  	s16 =	rddreg [dreg:$0xc];
	[sflag:s8] =	ssyncadd.s32 $0xFFFF8000  }
0x4c: {  	[hbm4b:s16+s2] =	stream.linear.scatter [tilespmem:s6], [sflag:$0x3], $0x8000, $0x38;
	[tilespmem:$0x11000] =	vst v63  }
0x4d: {  	_ =	swait.ge [sflag:s3], $0x8000  }
0x4e: {  	[sflag:s3] =	ssyncset.done $0x0  }
0x4f: {  	s16 =	simm.s32 $0x800;
	[sflag:s3] =	ssyncadd.s32 $0xFFFF8000  }
0x50: {  	[tilespmem:s6], [sflag:$0x1] =	stream.indirect.gather [hbm4b:s4+s5], $0x80, s16, s5, $0xb8;
	[tilespmem:$0x11000] =	vst v63  }
0x51: {  	_ =	swait.ge [sflag:s9], $0x8000  }
0x52: {  	[sflag:s9] =	ssyncset.done $0x0  }
0x53: {  	s17 =	sadd.s32 $0x109800, s30;
	[sflag:s9] =	ssyncadd.s32 $0xFFFF8000  }
0x54: {  	[hbm4b:s17+s2] =	stream.linear.scatter [tilespmem:s7], [sflag:$0x3], $0x8000, $0x38;
	[tilespmem:$0x11000] =	vst v63  }
0x55: {  	_ =	swait.ge [sflag:s3], $0x8000  }
0x56: {  	[sflag:s3] =	ssyncset.done $0x0  }
0x57: {  	s18 =	simm.s32 $0x900;
	[sflag:s3] =	ssyncadd.s32 $0xFFFF8000  }
0x58: {  	[tilespmem:s7], [sflag:$0x2] =	stream.indirect.gather [hbm4b:s4+s5], $0x80, s18, s5, $0xb8;
	[tilespmem:$0x11000] =	vst v63  }
0x59: {  	_ =	swait.ge [sflag:s8], $0x8000  }
0x5a: {  	[sflag:s8] =	ssyncset.done $0x0  }
0x5b: {  	s19 =	sadd.s32 $0x10A800, s30;
	[sflag:s8] =	ssyncadd.s32 $0xFFFF8000  }
0x5c: {  	[hbm4b:s19+s2] =	stream.linear.scatter [tilespmem:s6], [sflag:$0x3], $0x8000, $0x38;
	[tilespmem:$0x11000] =	vst v63  }
0x5d: {  	_ =	swait.ge [sflag:s3], $0x8000  }
0x5e: {  	[sflag:s3] =	ssyncset.done $0x0  }
0x5f: {  	s20 =	simm.s32 $0xA00;
	[sflag:s3] =	ssyncadd.s32 $0xFFFF8000  }
0x60: {  	[tilespmem:s6], [sflag:$0x1] =	stream.indirect.gather [hbm4b:s4+s5], $0x80, s20, s5, $0xb8;
	[tilespmem:$0x11000] =	vst v63  }
0x61: {  	_ =	swait.ge [sflag:s9], $0x8000  }
0x62: {  	[sflag:s9] =	ssyncset.done $0x0  }
0x63: {  	s21 =	sadd.s32 $0x10B800, s30;
	[sflag:s9] =	ssyncadd.s32 $0xFFFF8000  }
0x64: {  	[hbm4b:s21+s2] =	stream.linear.scatter [tilespmem:s7], [sflag:$0x3], $0x8000, $0x38;
	[tilespmem:$0x11000] =	vst v63  }
0x65: {  	_ =	swait.ge [sflag:s3], $0x8000  }
0x66: {  	[sflag:s3] =	ssyncset.done $0x0  }
0x67: {  	s22 =	simm.s32 $0xB00;
	[sflag:s3] =	ssyncadd.s32 $0xFFFF8000  }
0x68: {  	[tilespmem:s7], [sflag:$0x2] =	stream.indirect.gather [hbm4b:s4+s5], $0x80, s22, s5, $0xb8;
	[tilespmem:$0x11000] =	vst v63  }
0x69: {  	_ =	swait.ge [sflag:s8], $0x8000  }
0x6a: {  	[sflag:s8] =	ssyncset.done $0x0  }
0x6b: {  	s23 =	sadd.s32 $0x10C800, s30;
	[sflag:s8] =	ssyncadd.s32 $0xFFFF8000  }
0x6c: {  	[hbm4b:s23+s2] =	stream.linear.scatter [tilespmem:s6], [sflag:$0x3], $0x8000, $0x38;
	[tilespmem:$0x11000] =	vst v63  }
0x6d: {  	_ =	swait.ge [sflag:s3], $0x8000  }
0x6e: {  	[sflag:s3] =	ssyncset.done $0x0  }
0x6f: {  	s24 =	simm.s32 $0xC00;
	[sflag:s3] =	ssyncadd.s32 $0xFFFF8000  }
0x70: {  	[tilespmem:s6], [sflag:$0x1] =	stream.indirect.gather [hbm4b:s4+s5], $0x80, s24, s5, $0xb8;
	[tilespmem:$0x11000] =	vst v63  }
0x71: {  	_ =	swait.ge [sflag:s9], $0x8000  }
0x72: {  	[sflag:s9] =	ssyncset.done $0x0  }
0x73: {  	s25 =	sadd.s32 $0x10D800, s30;
	[sflag:s9] =	ssyncadd.s32 $0xFFFF8000  }
0x74: {  	[hbm4b:s25+s2] =	stream.linear.scatter [tilespmem:s7], [sflag:$0x3], $0x8000, $0x38;
	[tilespmem:$0x11000] =	vst v63  }
0x75: {  	_ =	swait.ge [sflag:s3], $0x8000  }
0x76: {  	[sflag:s3] =	ssyncset.done $0x0  }
0x77: {  	s26 =	simm.s32 $0xD00;
	[sflag:s3] =	ssyncadd.s32 $0xFFFF8000  }
0x78: {  	[tilespmem:s7], [sflag:$0x2] =	stream.indirect.gather [hbm4b:s4+s5], $0x80, s26, s5, $0xb8;
	[tilespmem:$0x11000] =	vst v63  }
0x79: {  	_ =	swait.ge [sflag:s8], $0x8000  }
0x7a: {  	[sflag:s8] =	ssyncset.done $0x0  }
0x7b: {  	s28 =	sadd.s32 $0x10E800, s30;
	[sflag:s8] =	ssyncadd.s32 $0xFFFF8000  }
0x7c: {  	[hbm4b:s28+s2] =	stream.linear.scatter [tilespmem:s6], [sflag:$0x3], $0x8000, $0x38;
	[tilespmem:$0x11000] =	vst v63  }
0x7d: {  	_ =	swait.ge [sflag:s3], $0x8000  }
0x7e: {  	[sflag:s3] =	ssyncset.done $0x0  }
0x7f: {  	s29 =	simm.s32 $0xE00;
	[sflag:s3] =	ssyncadd.s32 $0xFFFF8000  }
0x80: {  	[tilespmem:s6], [sflag:$0x1] =	stream.indirect.gather [hbm4b:s4+s5], $0x80, s29, s5, $0xb8;
	[tilespmem:$0x11000] =	vst v63  }
0x81: {  	_ =	swait.ge [sflag:s9], $0x8000  }
0x82: {  	[sflag:s9] =	ssyncset.done $0x0  }
0x83: {  	s30 =	sadd.s32 $0x10F800, s30;
	[sflag:s9] =	ssyncadd.s32 $0xFFFF8000  }
0x84: {  	[hbm4b:s30+s2] =	stream.linear.scatter [tilespmem:s7], [sflag:$0x3], $0x8000, $0x38;
	[tilespmem:$0x11000] =	vst v63  }
0x85: {  	_ =	swait.ge [sflag:s3], $0x8000  }
0x86: {  	[sflag:s3] =	ssyncset.done $0x0  }
0x87: {  	s31 =	simm.s32 $0xF00;
	[sflag:s3] =	ssyncadd.s32 $0xFFFF8000  }
0x88: {  	[tilespmem:s7], [sflag:$0x2] =	stream.indirect.gather [hbm4b:s4+s5], $0x80, s31, s5, $0xb8;
	[tilespmem:$0x11000] =	vst v63  }
0x89: {  	_ =	swait.ge [sflag:s8], $0x8000  }
0x8a: {  	[sflag:s8] =	ssyncset.done $0x0  }
0x8b: {  	s0 =	rddreg [dreg:$0x6];
	[sflag:s8] =	ssyncadd.s32 $0xFFFF8000  }
0x8c: {  	[hbm4b:s0+s2] =	stream.linear.scatter [tilespmem:s6], [sflag:$0x3], $0x8000, $0x38;
	[tilespmem:$0x11000] =	vst v63  }
0x8d: {  	_ =	swait.ge [sflag:s3], $0x8000  }
0x8e: {  	[sflag:s3] =	ssyncset.done $0x0  }
0x8f: {  	[sflag:s3] =	ssyncadd.s32 $0xFFFF8000  }
0x90: {  	[tilespmem:s6], [sflag:$0x1] =	stream.indirect.gather [hbm4b:s4+s5], $0x80, s31, s5, $0xb8;
	[tilespmem:$0x11000] =	vst v63  }
0x91: {  	_ =	swait.ge [sflag:s9], $0x8000  }
0x92: {  	[sflag:s9] =	ssyncset.done $0x0  }
0x93: {  	s0 =	rddreg [dreg:$0x7];
	[sflag:s9] =	ssyncadd.s32 $0xFFFF8000  }
0x94: {  	[hbm4b:s0+s2] =	stream.linear.scatter [tilespmem:s7], [sflag:$0x3], $0x8000, $0x38;
	[tilespmem:$0x11000] =	vst v63  }
0x95: {  	s0 =	ssub.s32 $0x2, s1  }
0x96: {  	_ =	swait.ge [sflag:s3], $0x8000;
	s1 =	sshrl.u32 s0, $0x1  }
0x97: {  	[sflag:s3] =	ssyncset.done $0x0;
	s0 =	ssub.s32 s0, s1  }
0x98: {  	[sflag:s3] =	ssyncadd.s32 $0xFFFF8000;
	s0 =	smax.u32 s0, $0x1  }
0x99: {  	[tilespmem:s7], [sflag:$0x2] =	stream.indirect.gather [hbm4b:s4+s5], $0x80, s31, s5, $0xb8;
	[tilespmem:$0x11000] =	vst v63  }
0x9a: {  	p0 =	sne.s32 s0, $0x1  }
.Ltmp0:
0x9b: {  	_ =	swait.ge [sflag:s8], $0x8000;
	(pc) =	sbr.rel @!p0 .LBB2_2-.Ltmp0, $4  }
0x9c: {  	[sflag:s8] =	ssyncset.done $0x0  }
0x9d: {  	[sflag:s8] =	ssyncadd.s32 $0xFFFF8000  }
0x9e: {  	_ =	swait.ge [sflag:s9], $0x8000  }
0x9f: {  	s1 =	sadd.s32 $0xFFFFFFFF, s0;
	[sflag:s9] =	ssyncset.done $0x0  }
.LBB2_1:
0xa0: {  	s0 =	rddreg [dreg:$0x3];
	[sflag:s9] =	ssyncadd.s32 $0xFFFF8000  }
0xa1: {  	[tilespmem:s2], [sflag:$0x3] =	stream.linear.gather [hbm4b:s0+s2], $0x1000, $0x38;
	[tilespmem:$0x11000] =	vst v63  }
0xa2: {  	_ =	swait.ge [sflag:s3], $0x1000  }
0xa3: {  	[sflag:s3] =	ssyncset.done $0x0  }
0xa4: {  	[sflag:s3] =	ssyncadd.s32 $0xFFFFF000  }
0xa5: {  	[tilespmem:s6], [sflag:$0x1] =	stream.indirect.gather [hbm4b:s4+s5], $0x80, s2, s5, $0xb8;
	[tilespmem:$0x11000] =	vst v63  }
0xa6: {  	_ = 	snop  }
0xa7: {  	[tilespmem:s7], [sflag:$0x2] =	stream.indirect.gather [hbm4b:s4+s5], $0x80, s5, s5, $0xb8;
	[tilespmem:$0x11000] =	vst v63  }
0xa8: {  	_ =	swait.ge [sflag:s8], $0x8000  }
0xa9: {  	[sflag:s8] =	ssyncset.done $0x0  }
0xaa: {  	s0 =	rddreg [dreg:$0x4];
	[sflag:s8] =	ssyncadd.s32 $0xFFFF8000  }
0xab: {  	[hbm4b:s0+s2] =	stream.linear.scatter [tilespmem:s6], [sflag:$0x3], $0x8000, $0x38;
	[tilespmem:$0x11000] =	vst v63  }
0xac: {  	_ =	swait.ge [sflag:s3], $0x8000  }
0xad: {  	[sflag:s3] =	ssyncset.done $0x0  }
0xae: {  	[sflag:s3] =	ssyncadd.s32 $0xFFFF8000  }
0xaf: {  	[tilespmem:s6], [sflag:$0x1] =	stream.indirect.gather [hbm4b:s4+s5], $0x80, s10, s5, $0xb8;
	[tilespmem:$0x11000] =	vst v63  }
0xb0: {  	_ =	swait.ge [sflag:s9], $0x8000  }
0xb1: {  	[sflag:s9] =	ssyncset.done $0x0  }
0xb2: {  	s0 =	rddreg [dreg:$0x5];
	[sflag:s9] =	ssyncadd.s32 $0xFFFF8000  }
0xb3: {  	[hbm4b:s0+s2] =	stream.linear.scatter [tilespmem:s7], [sflag:$0x3], $0x8000, $0x38;
	[tilespmem:$0x11000] =	vst v63  }
0xb4: {  	_ =	swait.ge [sflag:s3], $0x8000  }
0xb5: {  	[sflag:s3] =	ssyncset.done $0x0  }
0xb6: {  	[sflag:s3] =	ssyncadd.s32 $0xFFFF8000  }
0xb7: {  	[tilespmem:s7], [sflag:$0x2] =	stream.indirect.gather [hbm4b:s4+s5], $0x80, s11, s5, $0xb8;
	[tilespmem:$0x11000] =	vst v63  }
0xb8: {  	_ =	swait.ge [sflag:s8], $0x8000  }
0xb9: {  	[sflag:s8] =	ssyncset.done $0x0  }
0xba: {  	s0 =	rddreg [dreg:$0x8];
	[sflag:s8] =	ssyncadd.s32 $0xFFFF8000  }
0xbb: {  	[hbm4b:s0+s2] =	stream.linear.scatter [tilespmem:s6], [sflag:$0x3], $0x8000, $0x38;
	[tilespmem:$0x11000] =	vst v63  }
0xbc: {  	_ =	swait.ge [sflag:s3], $0x8000  }
0xbd: {  	[sflag:s3] =	ssyncset.done $0x0  }
0xbe: {  	[sflag:s3] =	ssyncadd.s32 $0xFFFF8000  }
0xbf: {  	[tilespmem:s6], [sflag:$0x1] =	stream.indirect.gather [hbm4b:s4+s5], $0x80, s12, s5, $0xb8;
	[tilespmem:$0x11000] =	vst v63  }
0xc0: {  	_ =	swait.ge [sflag:s9], $0x8000  }
0xc1: {  	[sflag:s9] =	ssyncset.done $0x0  }
0xc2: {  	s0 =	rddreg [dreg:$0x9];
	[sflag:s9] =	ssyncadd.s32 $0xFFFF8000  }
0xc3: {  	[hbm4b:s0+s2] =	stream.linear.scatter [tilespmem:s7], [sflag:$0x3], $0x8000, $0x38;
	[tilespmem:$0x11000] =	vst v63  }
0xc4: {  	_ =	swait.ge [sflag:s3], $0x8000  }
0xc5: {  	[sflag:s3] =	ssyncset.done $0x0  }
0xc6: {  	[sflag:s3] =	ssyncadd.s32 $0xFFFF8000  }
0xc7: {  	[tilespmem:s7], [sflag:$0x2] =	stream.indirect.gather [hbm4b:s4+s5], $0x80, s13, s5, $0xb8;
	[tilespmem:$0x11000] =	vst v63  }
0xc8: {  	_ =	swait.ge [sflag:s8], $0x8000  }
0xc9: {  	[sflag:s8] =	ssyncset.done $0x0  }
0xca: {  	s0 =	rddreg [dreg:$0xa];
	[sflag:s8] =	ssyncadd.s32 $0xFFFF8000  }
0xcb: {  	[hbm4b:s0+s2] =	stream.linear.scatter [tilespmem:s6], [sflag:$0x3], $0x8000, $0x38;
	[tilespmem:$0x11000] =	vst v63  }
0xcc: {  	_ =	swait.ge [sflag:s3], $0x8000  }
0xcd: {  	[sflag:s3] =	ssyncset.done $0x0  }
0xce: {  	[sflag:s3] =	ssyncadd.s32 $0xFFFF8000  }
0xcf: {  	[tilespmem:s6], [sflag:$0x1] =	stream.indirect.gather [hbm4b:s4+s5], $0x80, s14, s5, $0xb8;
	[tilespmem:$0x11000] =	vst v63  }
0xd0: {  	_ =	swait.ge [sflag:s9], $0x8000  }
0xd1: {  	[sflag:s9] =	ssyncset.done $0x0  }
0xd2: {  	s0 =	rddreg [dreg:$0xb];
	[sflag:s9] =	ssyncadd.s32 $0xFFFF8000  }
0xd3: {  	[hbm4b:s0+s2] =	stream.linear.scatter [tilespmem:s7], [sflag:$0x3], $0x8000, $0x38;
	[tilespmem:$0x11000] =	vst v63  }
0xd4: {  	_ =	swait.ge [sflag:s3], $0x8000  }
0xd5: {  	[sflag:s3] =	ssyncset.done $0x0  }
0xd6: {  	[sflag:s3] =	ssyncadd.s32 $0xFFFF8000  }
0xd7: {  	[tilespmem:s7], [sflag:$0x2] =	stream.indirect.gather [hbm4b:s4+s5], $0x80, s15, s5, $0xb8;
	[tilespmem:$0x11000] =	vst v63  }
0xd8: {  	_ =	swait.ge [sflag:s8], $0x8000  }
0xd9: {  	[sflag:s8] =	ssyncset.done $0x0  }
0xda: {  	s0 =	rddreg [dreg:$0xc];
	[sflag:s8] =	ssyncadd.s32 $0xFFFF8000  }
0xdb: {  	[hbm4b:s0+s2] =	stream.linear.scatter [tilespmem:s6], [sflag:$0x3], $0x8000, $0x38;
	[tilespmem:$0x11000] =	vst v63  }
0xdc: {  	_ =	swait.ge [sflag:s3], $0x8000  }
0xdd: {  	[sflag:s3] =	ssyncset.done $0x0  }
0xde: {  	[sflag:s3] =	ssyncadd.s32 $0xFFFF8000  }
0xdf: {  	[tilespmem:s6], [sflag:$0x1] =	stream.indirect.gather [hbm4b:s4+s5], $0x80, s16, s5, $0xb8;
	[tilespmem:$0x11000] =	vst v63  }
0xe0: {  	_ =	swait.ge [sflag:s9], $0x8000  }
0xe1: {  	[sflag:s9] =	ssyncset.done $0x0  }
0xe2: {  	[sflag:s9] =	ssyncadd.s32 $0xFFFF8000  }
0xe3: {  	[hbm4b:s17+s2] =	stream.linear.scatter [tilespmem:s7], [sflag:$0x3], $0x8000, $0x38;
	[tilespmem:$0x11000] =	vst v63  }
0xe4: {  	_ =	swait.ge [sflag:s3], $0x8000  }
0xe5: {  	[sflag:s3] =	ssyncset.done $0x0  }
0xe6: {  	[sflag:s3] =	ssyncadd.s32 $0xFFFF8000  }
0xe7: {  	[tilespmem:s7], [sflag:$0x2] =	stream.indirect.gather [hbm4b:s4+s5], $0x80, s18, s5, $0xb8;
	[tilespmem:$0x11000] =	vst v63  }
0xe8: {  	_ =	swait.ge [sflag:s8], $0x8000  }
0xe9: {  	[sflag:s8] =	ssyncset.done $0x0  }
0xea: {  	[sflag:s8] =	ssyncadd.s32 $0xFFFF8000  }
0xeb: {  	[hbm4b:s19+s2] =	stream.linear.scatter [tilespmem:s6], [sflag:$0x3], $0x8000, $0x38;
	[tilespmem:$0x11000] =	vst v63  }
0xec: {  	_ =	swait.ge [sflag:s3], $0x8000  }
0xed: {  	[sflag:s3] =	ssyncset.done $0x0  }
0xee: {  	[sflag:s3] =	ssyncadd.s32 $0xFFFF8000  }
0xef: {  	[tilespmem:s6], [sflag:$0x1] =	stream.indirect.gather [hbm4b:s4+s5], $0x80, s20, s5, $0xb8;
	[tilespmem:$0x11000] =	vst v63  }
0xf0: {  	_ =	swait.ge [sflag:s9], $0x8000  }
0xf1: {  	[sflag:s9] =	ssyncset.done $0x0  }
0xf2: {  	[sflag:s9] =	ssyncadd.s32 $0xFFFF8000  }
0xf3: {  	[hbm4b:s21+s2] =	stream.linear.scatter [tilespmem:s7], [sflag:$0x3], $0x8000, $0x38;
	[tilespmem:$0x11000] =	vst v63  }
0xf4: {  	_ =	swait.ge [sflag:s3], $0x8000  }
0xf5: {  	[sflag:s3] =	ssyncset.done $0x0  }
0xf6: {  	[sflag:s3] =	ssyncadd.s32 $0xFFFF8000  }
0xf7: {  	[tilespmem:s7], [sflag:$0x2] =	stream.indirect.gather [hbm4b:s4+s5], $0x80, s22, s5, $0xb8;
	[tilespmem:$0x11000] =	vst v63  }
0xf8: {  	_ =	swait.ge [sflag:s8], $0x8000  }
0xf9: {  	[sflag:s8] =	ssyncset.done $0x0  }
0xfa: {  	[sflag:s8] =	ssyncadd.s32 $0xFFFF8000  }
0xfb: {  	[hbm4b:s23+s2] =	stream.linear.scatter [tilespmem:s6], [sflag:$0x3], $0x8000, $0x38;
	[tilespmem:$0x11000] =	vst v63  }
0xfc: {  	_ =	swait.ge [sflag:s3], $0x8000  }
0xfd: {  	[sflag:s3] =	ssyncset.done $0x0  }
0xfe: {  	[sflag:s3] =	ssyncadd.s32 $0xFFFF8000  }
0xff: {  	[tilespmem:s6], [sflag:$0x1] =	stream.indirect.gather [hbm4b:s4+s5], $0x80, s24, s5, $0xb8;
	[tilespmem:$0x11000] =	vst v63  }
0x100: {  	_ =	swait.ge [sflag:s9], $0x8000  }
0x101: {  	[sflag:s9] =	ssyncset.done $0x0  }
0x102: {  	[sflag:s9] =	ssyncadd.s32 $0xFFFF8000  }
0x103: {  	[hbm4b:s25+s2] =	stream.linear.scatter [tilespmem:s7], [sflag:$0x3], $0x8000, $0x38;
	[tilespmem:$0x11000] =	vst v63  }
0x104: {  	_ =	swait.ge [sflag:s3], $0x8000  }
0x105: {  	[sflag:s3] =	ssyncset.done $0x0  }
0x106: {  	[sflag:s3] =	ssyncadd.s32 $0xFFFF8000  }
0x107: {  	[tilespmem:s7], [sflag:$0x2] =	stream.indirect.gather [hbm4b:s4+s5], $0x80, s26, s5, $0xb8;
	[tilespmem:$0x11000] =	vst v63  }
0x108: {  	_ =	swait.ge [sflag:s8], $0x8000  }
0x109: {  	[sflag:s8] =	ssyncset.done $0x0  }
0x10a: {  	[sflag:s8] =	ssyncadd.s32 $0xFFFF8000  }
0x10b: {  	[hbm4b:s28+s2] =	stream.linear.scatter [tilespmem:s6], [sflag:$0x3], $0x8000, $0x38;
	[tilespmem:$0x11000] =	vst v63  }
0x10c: {  	_ =	swait.ge [sflag:s3], $0x8000  }
0x10d: {  	[sflag:s3] =	ssyncset.done $0x0  }
0x10e: {  	[sflag:s3] =	ssyncadd.s32 $0xFFFF8000  }
0x10f: {  	[tilespmem:s6], [sflag:$0x1] =	stream.indirect.gather [hbm4b:s4+s5], $0x80, s29, s5, $0xb8;
	[tilespmem:$0x11000] =	vst v63  }
0x110: {  	_ =	swait.ge [sflag:s9], $0x8000  }
0x111: {  	[sflag:s9] =	ssyncset.done $0x0  }
0x112: {  	[sflag:s9] =	ssyncadd.s32 $0xFFFF8000  }
0x113: {  	[hbm4b:s30+s2] =	stream.linear.scatter [tilespmem:s7], [sflag:$0x3], $0x8000, $0x38;
	[tilespmem:$0x11000] =	vst v63  }
0x114: {  	_ =	swait.ge [sflag:s3], $0x8000  }
0x115: {  	[sflag:s3] =	ssyncset.done $0x0  }
0x116: {  	[sflag:s3] =	ssyncadd.s32 $0xFFFF8000  }
0x117: {  	[tilespmem:s7], [sflag:$0x2] =	stream.indirect.gather [hbm4b:s4+s5], $0x80, s31, s5, $0xb8;
	[tilespmem:$0x11000] =	vst v63  }
0x118: {  	_ =	swait.ge [sflag:s8], $0x8000  }
0x119: {  	[sflag:s8] =	ssyncset.done $0x0  }
0x11a: {  	s0 =	rddreg [dreg:$0x6];
	[sflag:s8] =	ssyncadd.s32 $0xFFFF8000  }
0x11b: {  	[hbm4b:s0+s2] =	stream.linear.scatter [tilespmem:s6], [sflag:$0x3], $0x8000, $0x38;
	[tilespmem:$0x11000] =	vst v63  }
0x11c: {  	_ =	swait.ge [sflag:s3], $0x8000  }
0x11d: {  	[sflag:s3] =	ssyncset.done $0x0  }
0x11e: {  	[sflag:s3] =	ssyncadd.s32 $0xFFFF8000  }
0x11f: {  	[tilespmem:s6], [sflag:$0x1] =	stream.indirect.gather [hbm4b:s4+s5], $0x80, s31, s5, $0xb8;
	[tilespmem:$0x11000] =	vst v63  }
0x120: {  	_ =	swait.ge [sflag:s9], $0x8000  }
0x121: {  	[sflag:s9] =	ssyncset.done $0x0  }
0x122: {  	s0 =	rddreg [dreg:$0x7];
	[sflag:s9] =	ssyncadd.s32 $0xFFFF8000  }
0x123: {  	[hbm4b:s0+s2] =	stream.linear.scatter [tilespmem:s7], [sflag:$0x3], $0x8000, $0x38;
	[tilespmem:$0x11000] =	vst v63  }
0x124: {  	_ =	swait.ge [sflag:s3], $0x8000  }
0x125: {  	[sflag:s3] =	ssyncset.done $0x0  }
0x126: {  	p0 =	sne.s32 s1, $0x1;
	[sflag:s3] =	ssyncadd.s32 $0xFFFF8000  }
0x127: {  	[tilespmem:s7], [sflag:$0x2] =	stream.indirect.gather [hbm4b:s4+s5], $0x80, s31, s5, $0xb8;
	[tilespmem:$0x11000] =	vst v63  }
.Ltmp1:
0x128: {  	_ =	swait.ge [sflag:s8], $0x8000;
	(pc) =	sbr.rel @p0 .LBB2_1-.Ltmp1, $4  }
0x129: {  	[sflag:s8] =	ssyncset.done $0x0  }
0x12a: {  	[sflag:s8] =	ssyncadd.s32 $0xFFFF8000  }
0x12b: {  	_ =	swait.ge [sflag:s9], $0x8000  }
0x12c: {  	s1 =	sadd.s32 $0xFFFFFFFF, s1;
	[sflag:s9] =	ssyncset.done $0x0  }
.LBB2_2:
0x12d: {  	[sflag:s9] =	ssyncadd.s32 $0xFFFF8000  }
0x12e: {  	_ =	sfence.sel $0x180000  }
0x12f: {  	[bflag:$0x0] =	sbarrier.arrive $0xFFFF  }
0x130: {  	_ =	strace $0x90000047  }
0x131: {  	s0 =	stileid.u32;
	[bflag:$0x2] =	sbarrier.arrive $0xFFFF  }
0x132: {  	p0 =	sne.s32 s0, $0x0;
	s0 =	rddreg [dreg:$0x2]  }
0x133: {  	s0 =	sadd.s32 @!p0 $0x100000, s0  }
0x134: {  	[sflag:s0] =	ssyncadd.tile.s32 @!p0 $0x1;
	_ =	shalt  }
.Lfunc_end2:
_tile_overlayer_lowered:
.L_overlay_start_2:
0x135: {  	(tag) =	ssettag $0x2  }
0x136: {  	s0 =	rddreg [dreg:$0x0];
	s2 =	stileid.u32  }
0x137: {  	s1 =	rddreg [dreg:$0x1];
	p0 =	sne.s32 s2, $0x0  }
0x138: {  	s3 =	rddreg [dreg:$0x2];
	[bflag:$0x3] =	sbarrier.arrive $0xFFFF;
	s2 =	simm.s32 @!p0 $0x1C03  }
0x139: {  	[timem:s3], [sflag:s2] =	dma.local @!p0 [hbm:s0], s1  }
0x13a: {  	s0 =	simm.s32 @!p0 $0x3  }
0x13b: {  	_ =	swait.ge @!p0 [sflag:s0], s1  }
0x13c: {  	s1 =	ssub.s32 @!p0 $0x0, s1;
	[sflag:s0] =	ssyncset.done @!p0 $0x0  }
0x13d: {  	[sflag:s0] =	ssyncadd.s32 @!p0 s1  }
0x13e: {  	[bflag:$0x3] =	sbarrier.arrive $0xFFFF  }
0x13f: {  	_ =	shalt  }

</sc_bundles>
